<compile_context>
chip_gen: v7x
topology: tpu7x:2x2x1
jax: 0.10.2.dev20260603
libtpu: 0.0.44.dev20260713+nightly
codegen_flags: <defaults>
</compile_context>

<pallas_src>
import functools

import jax
import jax.numpy as jnp
from jax import lax
from jax.experimental import pallas as pl
from jax.experimental.pallas import tpu as pltpu
from jax.experimental.pallas import tpu_sc as plsc

B = 16384
L = 100
D = 32

NC, NS = 2, 16
NW = NC * NS
BBLK = B // NW
LANES = 16


@functools.partial(
    pl.kernel,
    out_type=jax.ShapeDtypeStruct((L, 1, D, B), jnp.float32),
    mesh=plsc.VectorSubcoreMesh(core_axis_name="c", subcore_axis_name="s"),
    compiler_params=pltpu.CompilerParams(
        use_tc_tiling_on_sc=False, needs_layout_passes=False
    ),
    scratch_types=[
        pltpu.VMEM((L, BBLK), jnp.int32),
        pltpu.VMEM((BBLK, D), jnp.float32),
        pltpu.VMEM((BBLK, D), jnp.float32),
        pltpu.VMEM((D, BBLK + 1), jnp.float32),
        pltpu.VMEM((D, BBLK + 1), jnp.float32),
        pltpu.SemaphoreType.DMA,
        pltpu.SemaphoreType.DMA,
        pltpu.SemaphoreType.DMA,
        pltpu.SemaphoreType.DMA,
    ],
)
def _emb_gather_t(
    table_hbm, xt_hbm, out_hbm,
    idx_v, r0_v, r1_v, t0_v, t1_v,
    semg0, semg1, semw0, semw1,
):
    wid = lax.axis_index("s") * NC + lax.axis_index("c")
    b0 = wid * BBLK

    UNROLL_B = 16

    def transpose(r_v, t_v):
        row_lo = lax.iota(jnp.int32, LANES)
        row_hi = row_lo + LANES
        zeros = jnp.zeros((LANES,), jnp.int32)

        def tbody(i, carry):
            base = i * UNROLL_B
            for k in range(UNROLL_B):
                bcur = base + k
                col = zeros + bcur
                plsc.store_scatter(t_v, [row_lo, col], r_v[bcur, pl.ds(0, LANES)])
                plsc.store_scatter(t_v, [row_hi, col], r_v[bcur, pl.ds(LANES, LANES)])
            return carry

        lax.fori_loop(0, BBLK // UNROLL_B, tbody, 0)

    def gather_start(l, r_v, sem):
        pltpu.async_copy(table_hbm.at[idx_v.at[l]], r_v, sem)

    def gather_wait(l, r_v, sem):
        pltpu.make_async_copy(table_hbm.at[idx_v.at[l]], r_v, sem).wait()

    def write_start(t_v, l, sem):
        pltpu.async_copy(
            t_v.at[:, pl.ds(0, BBLK)], out_hbm.at[l, 0, :, pl.ds(b0, BBLK)], sem
        )

    def write_wait(t_v, l, sem):
        pltpu.make_async_copy(
            t_v.at[:, pl.ds(0, BBLK)], out_hbm.at[l, 0, :, pl.ds(b0, BBLK)], sem
        ).wait()

    pltpu.sync_copy(xt_hbm.at[:, pl.ds(b0, BBLK)], idx_v)
    gather_start(0, r0_v, semg0)

    def body(g, carry):
        l0 = 2 * g
        l1 = l0 + 1

        gather_start(l1, r1_v, semg1)

        gather_wait(l0, r0_v, semg0)

        @pl.when(g >= 1)
        def _():
            write_wait(t0_v, l0, semw0)

        transpose(r0_v, t0_v)
        write_start(t0_v, l0, semw0)

        @pl.when(g < L // 2 - 1)
        def _():
            gather_start(l0 + 2, r0_v, semg0)

        gather_wait(l1, r1_v, semg1)

        @pl.when(g >= 1)
        def _():
            write_wait(t1_v, l1, semw1)

        transpose(r1_v, t1_v)
        write_start(t1_v, l1, semw1)
        return carry

    lax.fori_loop(0, L // 2, body, 0)

    write_wait(t0_v, L - 2, semw0)
    write_wait(t1_v, L - 1, semw1)


def kernel(x, table):
    xt = x.T.astype(jnp.int32)
    out = _emb_gather_t(table, xt)
    return out.transpose(3, 0, 1, 2)

# --- scband reference (transcript-rebuilt; emitter-appended) ---
"""Pipeline reference for scband-embedding-channel-27178553049921 (READ-ONLY COPY).

The authoritative reference and input builder live on the scoring server;
editing this copy changes nothing except your own understanding.
"""

import jax, jax.numpy as jnp
import numpy as np

D = 32
C_MAX = 1000000
B = 16384
L = 100

def setup_inputs(seed: int = 0) -> dict:
    key = jax.random.key(seed)
    k_idx, k_tab = jax.random.split(key)
    x = jax.random.randint(k_idx, (B, L), 0, C_MAX, dtype=jnp.int64 if jax.config.jax_enable_x64 else jnp.int32)
    table = jax.random.normal(k_tab, (C_MAX, D), dtype=jnp.float32)
    return {"x": x, "table": table}

def reference(x, table):
    # torch.nn.Embedding lookup: table[x] -> [B, L, D]
    emb = jnp.take(table, x, axis=0)
    # unsqueeze(2) -> [B, L, 1, D]
    out = emb[:, :, None, :]
    return out

if __name__ == "__main__":
    import jax
    _d = setup_inputs()
    print(jax.jit(kernel)(*tuple(_d.values())))

</pallas_src>

<mosaic_0001>
#map = affine_map<(d0, d1) -> (0, 0)>
#map1 = affine_map<(d0, d1) -> (0, 0, 0, 0)>
module attributes {stable_mosaic.version = 14 : i64} {
  func.func @_emb_gather_t(%arg0: i32, %arg1: i32, %arg2: memref<1000000x32xf32, #tpu.memory_space<hbm>>, %arg3: memref<100x16384xi32, #tpu.memory_space<hbm>>, %arg4: memref<100x1x32x16384xf32, #tpu.memory_space<hbm>>, %arg5: memref<100x512xi32, #tpu.memory_space<vmem>>, %arg6: memref<512x32xf32, #tpu.memory_space<vmem>>, %arg7: memref<512x32xf32, #tpu.memory_space<vmem>>, %arg8: memref<32x513xf32, #tpu.memory_space<vmem>>, %arg9: memref<32x513xf32, #tpu.memory_space<vmem>>, %arg10: memref<!tpu.dma_semaphore, #tpu.memory_space<semaphore_mem>>, %arg11: memref<!tpu.dma_semaphore, #tpu.memory_space<semaphore_mem>>, %arg12: memref<!tpu.dma_semaphore, #tpu.memory_space<semaphore_mem>>, %arg13: memref<!tpu.dma_semaphore, #tpu.memory_space<semaphore_mem>>) attributes {dimension_semantics = [#tpu.dimension_semantics<core_parallel>, #tpu.dimension_semantics<subcore_parallel>], iteration_bounds = array<i64: 2, 16>, scalar_prefetch = 0 : i64, scratch_operands = 9 : i64, tpu.core_type = #tpu.core_type<sc_vector_subcore>, window_params = [{transform_indices = #map}, {transform_indices = #map}, {transform_indices = #map1}]} {
    %mul3A = arith.constant 2 : i32
    %mul3A_0 = arith.muli %arg1, %mul3A : i32
    %add3A = arith.addi %mul3A_0, %arg0 : i32
    %mul3A_1 = arith.constant 512 : i32
    %mul3A_2 = arith.muli %add3A, %mul3A_1 : i32
    "tpu.region"() ({
      %run_scoped3A = tpu.sem_alloc : memref<!tpu.dma_semaphore, #tpu.memory_space<semaphore_mem>>
      %dma_start3A_41 = arith.constant 0 : i32
      %dma_start3A_42 = tpu.memref_slice %arg3[%dma_start3A_41, %mul3A_2] : memref<100x16384xi32, #tpu.memory_space<hbm>> -> memref<100x512xi32, #tpu.memory_space<hbm>>
      %dma_start3A_43 = arith.constant 0 : i32
      %dma_start3A_44 = tpu.memref_slice %arg3[%dma_start3A_43, %mul3A_2] : memref<100x16384xi32, #tpu.memory_space<hbm>> -> memref<100x512xi32, #tpu.memory_space<hbm>>
      tpu.enqueue_dma source(%dma_start3A_44 : memref<100x512xi32, #tpu.memory_space<hbm>>) target(%arg5 : memref<100x512xi32, #tpu.memory_space<vmem>>) target_semaphore(%run_scoped3A : memref<!tpu.dma_semaphore, #tpu.memory_space<semaphore_mem>>)
      %dma_wait3A_45 = arith.constant 0 : i32
      %dma_wait3A_46 = tpu.memref_slice %arg3[%dma_wait3A_45, %mul3A_2] : memref<100x16384xi32, #tpu.memory_space<hbm>> -> memref<100x512xi32, #tpu.memory_space<hbm>>
      %dma_wait3A_47 = arith.constant 0 : i32
      %dma_wait3A_48 = tpu.memref_slice %arg3[%dma_wait3A_47, %mul3A_2] : memref<100x16384xi32, #tpu.memory_space<hbm>> -> memref<100x512xi32, #tpu.memory_space<hbm>>
      tpu.wait_dma2 semaphore(%run_scoped3A : memref<!tpu.dma_semaphore, #tpu.memory_space<semaphore_mem>>) src(%dma_wait3A_48 : memref<100x512xi32, #tpu.memory_space<hbm>>) dst(%arg5 : memref<100x512xi32, #tpu.memory_space<vmem>>)
      tpu.yield
    }) : () -> ()
    %dma_start3A = arith.constant 0 : i32
    %dma_start3A_3 = arith.constant 0 : i32
    %dma_start3A_4 = tpu.memref_slice %arg5[%dma_start3A, %dma_start3A_3] : memref<100x512xi32, #tpu.memory_space<vmem>> -> memref<1x512xi32, #tpu.memory_space<vmem>>
    %dma_start3A_5 = tpu.memref_squeeze %dma_start3A_4 : memref<1x512xi32, #tpu.memory_space<vmem>> -> memref<512xi32, #tpu.memory_space<vmem>>
    %dma_start3A_6 = arith.constant 0 : i32
    %dma_start3A_7 = arith.constant 0 : i32
    %dma_start3A_8 = tpu.memref_slice %arg2[%dma_start3A_6, %dma_start3A_7] : memref<1000000x32xf32, #tpu.memory_space<hbm>> -> memref<1000000x32xf32, #tpu.memory_space<hbm>>
    tpu.enqueue_indirect_dma source(%dma_start3A_8 : memref<1000000x32xf32, #tpu.memory_space<hbm>>) target(%arg6 : memref<512x32xf32, #tpu.memory_space<vmem>>) offsets(%dma_start3A_5 : memref<512xi32, #tpu.memory_space<vmem>>) semaphore(%arg10 : memref<!tpu.dma_semaphore, #tpu.memory_space<semaphore_mem>>)
    %scan3A = arith.constant 0 : i32
    %scan3A_9 = arith.constant 0 : i32
    %scan3A_10 = arith.constant 50 : i32
    %scan3A_11 = arith.addi %scan3A_9, %scan3A_10 : i32
    %scan3A_12 = arith.constant 1 : i32
    scf.for %scan3A_41 = %scan3A_9 to %scan3A_11 step %scan3A_12  : i32 {
      %mul3A_42 = arith.constant 2 : i32
      %mul3A_43 = arith.muli %mul3A_42, %scan3A_41 : i32
      %add3A_44 = arith.constant 1 : i32
      %add3A_45 = arith.addi %mul3A_43, %add3A_44 : i32
      %dma_start3A_46 = arith.constant 0 : i32
      %dma_start3A_47 = tpu.memref_slice %arg5[%add3A_45, %dma_start3A_46] : memref<100x512xi32, #tpu.memory_space<vmem>> -> memref<1x512xi32, #tpu.memory_space<vmem>>
      %dma_start3A_48 = tpu.memref_squeeze %dma_start3A_47 : memref<1x512xi32, #tpu.memory_space<vmem>> -> memref<512xi32, #tpu.memory_space<vmem>>
      %dma_start3A_49 = arith.constant 0 : i32
      %dma_start3A_50 = arith.constant 0 : i32
      %dma_start3A_51 = tpu.memref_slice %arg2[%dma_start3A_49, %dma_start3A_50] : memref<1000000x32xf32, #tpu.memory_space<hbm>> -> memref<1000000x32xf32, #tpu.memory_space<hbm>>
      tpu.enqueue_indirect_dma source(%dma_start3A_51 : memref<1000000x32xf32, #tpu.memory_space<hbm>>) target(%arg7 : memref<512x32xf32, #tpu.memory_space<vmem>>) offsets(%dma_start3A_48 : memref<512xi32, #tpu.memory_space<vmem>>) semaphore(%arg11 : memref<!tpu.dma_semaphore, #tpu.memory_space<semaphore_mem>>)
      %dma_wait3A_52 = arith.constant 0 : i32
      %dma_wait3A_53 = tpu.memref_slice %arg5[%mul3A_43, %dma_wait3A_52] : memref<100x512xi32, #tpu.memory_space<vmem>> -> memref<1x512xi32, #tpu.memory_space<vmem>>
      %dma_wait3A_54 = tpu.memref_squeeze %dma_wait3A_53 : memref<1x512xi32, #tpu.memory_space<vmem>> -> memref<512xi32, #tpu.memory_space<vmem>>
      %dma_wait3A_55 = arith.constant 0 : i32
      %dma_wait3A_56 = arith.constant 0 : i32
      %dma_wait3A_57 = tpu.memref_slice %arg2[%dma_wait3A_55, %dma_wait3A_56] : memref<1000000x32xf32, #tpu.memory_space<hbm>> -> memref<1000000x32xf32, #tpu.memory_space<hbm>>
      tpu.wait_indirect_dma semaphore(%arg10 : memref<!tpu.dma_semaphore, #tpu.memory_space<semaphore_mem>>) src(%dma_wait3A_57 : memref<1000000x32xf32, #tpu.memory_space<hbm>>) dst(%arg6 : memref<512x32xf32, #tpu.memory_space<vmem>>)
      %ge3A = arith.constant 1 : i32
      %ge3A_58 = arith.cmpi sge, %scan3A_41, %ge3A : i32
      %convert_element_type3A = arith.extui %ge3A_58 : i1 to i32
      %cond3A = arith.constant 0 : i32
      %cond3A_59 = arith.cmpi ne, %convert_element_type3A, %cond3A : i32
      scf.if %cond3A_59 {
        %dma_wait3A_123 = arith.constant 0 : i32
        %dma_wait3A_124 = arith.constant 0 : i32
        %dma_wait3A_125 = arith.constant 0 : i32
        %dma_wait3A_126 = tpu.memref_slice %arg8[%dma_wait3A_124, %dma_wait3A_125] : memref<32x513xf32, #tpu.memory_space<vmem>> -> memref<32x512xf32, #tpu.memory_space<vmem>>
        %dma_wait3A_127 = arith.constant 0 : i32
        %dma_wait3A_128 = tpu.memref_slice %arg4[%mul3A_43, %dma_wait3A_123, %dma_wait3A_127, %mul3A_2] : memref<100x1x32x16384xf32, #tpu.memory_space<hbm>> -> memref<1x1x32x512xf32, #tpu.memory_space<hbm>>
        %dma_wait3A_129 = tpu.memref_squeeze %dma_wait3A_128 : memref<1x1x32x512xf32, #tpu.memory_space<hbm>> -> memref<32x512xf32, #tpu.memory_space<hbm>>
        %dma_wait3A_130 = arith.constant 0 : i32
        %dma_wait3A_131 = tpu.memref_slice %arg4[%mul3A_43, %dma_wait3A_123, %dma_wait3A_130, %mul3A_2] : memref<100x1x32x16384xf32, #tpu.memory_space<hbm>> -> memref<1x1x32x512xf32, #tpu.memory_space<hbm>>
        %dma_wait3A_132 = tpu.memref_squeeze %dma_wait3A_131 : memref<1x1x32x512xf32, #tpu.memory_space<hbm>> -> memref<32x512xf32, #tpu.memory_space<hbm>>
        %dma_wait3A_133 = arith.constant 0 : i32
        %dma_wait3A_134 = arith.constant 0 : i32
        %dma_wait3A_135 = tpu.memref_slice %arg8[%dma_wait3A_133, %dma_wait3A_134] : memref<32x513xf32, #tpu.memory_space<vmem>> -> memref<32x512xf32, #tpu.memory_space<vmem>>
        tpu.wait_dma2 semaphore(%arg12 : memref<!tpu.dma_semaphore, #tpu.memory_space<semaphore_mem>>) src(%dma_wait3A_135 : memref<32x512xf32, #tpu.memory_space<vmem>>) dst(%dma_wait3A_132 : memref<32x512xf32, #tpu.memory_space<hbm>>)
      } else {
      }
      %iota3A = tpu.iota {dimensions = array<i32: 0>} : vector<16xi32>
      %add3A_60 = arith.constant 16 : i32
      %add3A_61 = vector.broadcast %add3A_60 : i32 to vector<16xi32>
      %add3A_62 = arith.addi %iota3A, %add3A_61 : vector<16xi32>
      %broadcast_in_dim3A = arith.constant 0 : i32
      %broadcast_in_dim3A_63 = vector.broadcast %broadcast_in_dim3A : i32 to vector<16xi32>
      %scan3A_64 = arith.constant 0 : i32
      %scan3A_65 = arith.constant 0 : i32
      %scan3A_66 = arith.constant 32 : i32
      %scan3A_67 = arith.addi %scan3A_65, %scan3A_66 : i32
      %scan3A_68 = arith.constant 1 : i32
      scf.for %scan3A_123 = %scan3A_65 to %scan3A_67 step %scan3A_68  : i32 {
        %mul3A_124 = arith.constant 16 : i32
        %mul3A_125 = arith.muli %scan3A_123, %mul3A_124 : i32
        %add3A_126 = arith.constant 0 : i32
        %add3A_127 = arith.addi %mul3A_125, %add3A_126 : i32
        %add3A_128 = vector.broadcast %add3A_127 : i32 to vector<16xi32>
        %add3A_129 = arith.addi %broadcast_in_dim3A_63, %add3A_128 : vector<16xi32>
        %get3A = arith.index_cast %add3A_127 : i32 to index
        %get3A_130 = arith.constant 0 : index
        %get3A_131 = tpu.vector_load %arg6[%get3A, %get3A_130] {strides = array<i32>} : memref<512x32xf32, #tpu.memory_space<vmem>>, vector<16xf32>,
        tpu.vector_store_idx %arg8[%iota3A, %add3A_129], %get3A_131 : memref<32x513xf32, #tpu.memory_space<vmem>>[vector<16xi32>, vector<16xi32>], vector<16xf32>,
        %get3A_132 = arith.index_cast %add3A_127 : i32 to index
        %get3A_133 = arith.constant 16 : index
        %get3A_134 = tpu.vector_load %arg6[%get3A_132, %get3A_133] {strides = array<i32>} : memref<512x32xf32, #tpu.memory_space<vmem>>, vector<16xf32>,
        tpu.vector_store_idx %arg8[%add3A_62, %add3A_129], %get3A_134 : memref<32x513xf32, #tpu.memory_space<vmem>>[vector<16xi32>, vector<16xi32>], vector<16xf32>,
        %add3A_135 = arith.constant 1 : i32
        %add3A_136 = arith.addi %mul3A_125, %add3A_135 : i32
        %add3A_137 = vector.broadcast %add3A_136 : i32 to vector<16xi32>
        %add3A_138 = arith.addi %broadcast_in_dim3A_63, %add3A_137 : vector<16xi32>
        %get3A_139 = arith.index_cast %add3A_136 : i32 to index
        %get3A_140 = arith.constant 0 : index
        %get3A_141 = tpu.vector_load %arg6[%get3A_139, %get3A_140] {strides = array<i32>} : memref<512x32xf32, #tpu.memory_space<vmem>>, vector<16xf32>,
        tpu.vector_store_idx %arg8[%iota3A, %add3A_138], %get3A_141 : memref<32x513xf32, #tpu.memory_space<vmem>>[vector<16xi32>, vector<16xi32>], vector<16xf32>,
        %get3A_142 = arith.index_cast %add3A_136 : i32 to index
        %get3A_143 = arith.constant 16 : index
        %get3A_144 = tpu.vector_load %arg6[%get3A_142, %get3A_143] {strides = array<i32>} : memref<512x32xf32, #tpu.memory_space<vmem>>, vector<16xf32>,
        tpu.vector_store_idx %arg8[%add3A_62, %add3A_138], %get3A_144 : memref<32x513xf32, #tpu.memory_space<vmem>>[vector<16xi32>, vector<16xi32>], vector<16xf32>,
        %add3A_145 = arith.constant 2 : i32
        %add3A_146 = arith.addi %mul3A_125, %add3A_145 : i32
        %add3A_147 = vector.broadcast %add3A_146 : i32 to vector<16xi32>
        %add3A_148 = arith.addi %broadcast_in_dim3A_63, %add3A_147 : vector<16xi32>
        %get3A_149 = arith.index_cast %add3A_146 : i32 to index
        %get3A_150 = arith.constant 0 : index
        %get3A_151 = tpu.vector_load %arg6[%get3A_149, %get3A_150] {strides = array<i32>} : memref<512x32xf32, #tpu.memory_space<vmem>>, vector<16xf32>,
        tpu.vector_store_idx %arg8[%iota3A, %add3A_148], %get3A_151 : memref<32x513xf32, #tpu.memory_space<vmem>>[vector<16xi32>, vector<16xi32>], vector<16xf32>,
        %get3A_152 = arith.index_cast %add3A_146 : i32 to index
        %get3A_153 = arith.constant 16 : index
        %get3A_154 = tpu.vector_load %arg6[%get3A_152, %get3A_153] {strides = array<i32>} : memref<512x32xf32, #tpu.memory_space<vmem>>, vector<16xf32>,
        tpu.vector_store_idx %arg8[%add3A_62, %add3A_148], %get3A_154 : memref<32x513xf32, #tpu.memory_space<vmem>>[vector<16xi32>, vector<16xi32>], vector<16xf32>,
        %add3A_155 = arith.constant 3 : i32
        %add3A_156 = arith.addi %mul3A_125, %add3A_155 : i32
        %add3A_157 = vector.broadcast %add3A_156 : i32 to vector<16xi32>
        %add3A_158 = arith.addi %broadcast_in_dim3A_63, %add3A_157 : vector<16xi32>
        %get3A_159 = arith.index_cast %add3A_156 : i32 to index
        %get3A_160 = arith.constant 0 : index
        %get3A_161 = tpu.vector_load %arg6[%get3A_159, %get3A_160] {strides = array<i32>} : memref<512x32xf32, #tpu.memory_space<vmem>>, vector<16xf32>,
        tpu.vector_store_idx %arg8[%iota3A, %add3A_158], %get3A_161 : memref<32x513xf32, #tpu.memory_space<vmem>>[vector<16xi32>, vector<16xi32>], vector<16xf32>,
        %get3A_162 = arith.index_cast %add3A_156 : i32 to index
        %get3A_163 = arith.constant 16 : index
        %get3A_164 = tpu.vector_load %arg6[%get3A_162, %get3A_163] {strides = array<i32>} : memref<512x32xf32, #tpu.memory_space<vmem>>, vector<16xf32>,
        tpu.vector_store_idx %arg8[%add3A_62, %add3A_158], %get3A_164 : memref<32x513xf32, #tpu.memory_space<vmem>>[vector<16xi32>, vector<16xi32>], vector<16xf32>,
        %add3A_165 = arith.constant 4 : i32
        %add3A_166 = arith.addi %mul3A_125, %add3A_165 : i32
        %add3A_167 = vector.broadcast %add3A_166 : i32 to vector<16xi32>
        %add3A_168 = arith.addi %broadcast_in_dim3A_63, %add3A_167 : vector<16xi32>
        %get3A_169 = arith.index_cast %add3A_166 : i32 to index
        %get3A_170 = arith.constant 0 : index
        %get3A_171 = tpu.vector_load %arg6[%get3A_169, %get3A_170] {strides = array<i32>} : memref<512x32xf32, #tpu.memory_space<vmem>>, vector<16xf32>,
        tpu.vector_store_idx %arg8[%iota3A, %add3A_168], %get3A_171 : memref<32x513xf32, #tpu.memory_space<vmem>>[vector<16xi32>, vector<16xi32>], vector<16xf32>,
        %get3A_172 = arith.index_cast %add3A_166 : i32 to index
        %get3A_173 = arith.constant 16 : index
        %get3A_174 = tpu.vector_load %arg6[%get3A_172, %get3A_173] {strides = array<i32>} : memref<512x32xf32, #tpu.memory_space<vmem>>, vector<16xf32>,
        tpu.vector_store_idx %arg8[%add3A_62, %add3A_168], %get3A_174 : memref<32x513xf32, #tpu.memory_space<vmem>>[vector<16xi32>, vector<16xi32>], vector<16xf32>,
        %add3A_175 = arith.constant 5 : i32
        %add3A_176 = arith.addi %mul3A_125, %add3A_175 : i32
        %add3A_177 = vector.broadcast %add3A_176 : i32 to vector<16xi32>
        %add3A_178 = arith.addi %broadcast_in_dim3A_63, %add3A_177 : vector<16xi32>
        %get3A_179 = arith.index_cast %add3A_176 : i32 to index
        %get3A_180 = arith.constant 0 : index
        %get3A_181 = tpu.vector_load %arg6[%get3A_179, %get3A_180] {strides = array<i32>} : memref<512x32xf32, #tpu.memory_space<vmem>>, vector<16xf32>,
        tpu.vector_store_idx %arg8[%iota3A, %add3A_178], %get3A_181 : memref<32x513xf32, #tpu.memory_space<vmem>>[vector<16xi32>, vector<16xi32>], vector<16xf32>,
        %get3A_182 = arith.index_cast %add3A_176 : i32 to index
        %get3A_183 = arith.constant 16 : index
        %get3A_184 = tpu.vector_load %arg6[%get3A_182, %get3A_183] {strides = array<i32>} : memref<512x32xf32, #tpu.memory_space<vmem>>, vector<16xf32>,
        tpu.vector_store_idx %arg8[%add3A_62, %add3A_178], %get3A_184 : memref<32x513xf32, #tpu.memory_space<vmem>>[vector<16xi32>, vector<16xi32>], vector<16xf32>,
        %add3A_185 = arith.constant 6 : i32
        %add3A_186 = arith.addi %mul3A_125, %add3A_185 : i32
        %add3A_187 = vector.broadcast %add3A_186 : i32 to vector<16xi32>
        %add3A_188 = arith.addi %broadcast_in_dim3A_63, %add3A_187 : vector<16xi32>
        %get3A_189 = arith.index_cast %add3A_186 : i32 to index
        %get3A_190 = arith.constant 0 : index
        %get3A_191 = tpu.vector_load %arg6[%get3A_189, %get3A_190] {strides = array<i32>} : memref<512x32xf32, #tpu.memory_space<vmem>>, vector<16xf32>,
        tpu.vector_store_idx %arg8[%iota3A, %add3A_188], %get3A_191 : memref<32x513xf32, #tpu.memory_space<vmem>>[vector<16xi32>, vector<16xi32>], vector<16xf32>,
        %get3A_192 = arith.index_cast %add3A_186 : i32 to index
        %get3A_193 = arith.constant 16 : index
        %get3A_194 = tpu.vector_load %arg6[%get3A_192, %get3A_193] {strides = array<i32>} : memref<512x32xf32, #tpu.memory_space<vmem>>, vector<16xf32>,
        tpu.vector_store_idx %arg8[%add3A_62, %add3A_188], %get3A_194 : memref<32x513xf32, #tpu.memory_space<vmem>>[vector<16xi32>, vector<16xi32>], vector<16xf32>,
        %add3A_195 = arith.constant 7 : i32
        %add3A_196 = arith.addi %mul3A_125, %add3A_195 : i32
        %add3A_197 = vector.broadcast %add3A_196 : i32 to vector<16xi32>
        %add3A_198 = arith.addi %broadcast_in_dim3A_63, %add3A_197 : vector<16xi32>
        %get3A_199 = arith.index_cast %add3A_196 : i32 to index
        %get3A_200 = arith.constant 0 : index
        %get3A_201 = tpu.vector_load %arg6[%get3A_199, %get3A_200] {strides = array<i32>} : memref<512x32xf32, #tpu.memory_space<vmem>>, vector<16xf32>,
        tpu.vector_store_idx %arg8[%iota3A, %add3A_198], %get3A_201 : memref<32x513xf32, #tpu.memory_space<vmem>>[vector<16xi32>, vector<16xi32>], vector<16xf32>,
        %get3A_202 = arith.index_cast %add3A_196 : i32 to index
        %get3A_203 = arith.constant 16 : index
        %get3A_204 = tpu.vector_load %arg6[%get3A_202, %get3A_203] {strides = array<i32>} : memref<512x32xf32, #tpu.memory_space<vmem>>, vector<16xf32>,
        tpu.vector_store_idx %arg8[%add3A_62, %add3A_198], %get3A_204 : memref<32x513xf32, #tpu.memory_space<vmem>>[vector<16xi32>, vector<16xi32>], vector<16xf32>,
        %add3A_205 = arith.constant 8 : i32
        %add3A_206 = arith.addi %mul3A_125, %add3A_205 : i32
        %add3A_207 = vector.broadcast %add3A_206 : i32 to vector<16xi32>
        %add3A_208 = arith.addi %broadcast_in_dim3A_63, %add3A_207 : vector<16xi32>
        %get3A_209 = arith.index_cast %add3A_206 : i32 to index
        %get3A_210 = arith.constant 0 : index
        %get3A_211 = tpu.vector_load %arg6[%get3A_209, %get3A_210] {strides = array<i32>} : memref<512x32xf32, #tpu.memory_space<vmem>>, vector<16xf32>,
        tpu.vector_store_idx %arg8[%iota3A, %add3A_208], %get3A_211 : memref<32x513xf32, #tpu.memory_space<vmem>>[vector<16xi32>, vector<16xi32>], vector<16xf32>,
        %get3A_212 = arith.index_cast %add3A_206 : i32 to index
        %get3A_213 = arith.constant 16 : index
        %get3A_214 = tpu.vector_load %arg6[%get3A_212, %get3A_213] {strides = array<i32>} : memref<512x32xf32, #tpu.memory_space<vmem>>, vector<16xf32>,
        tpu.vector_store_idx %arg8[%add3A_62, %add3A_208], %get3A_214 : memref<32x513xf32, #tpu.memory_space<vmem>>[vector<16xi32>, vector<16xi32>], vector<16xf32>,
        %add3A_215 = arith.constant 9 : i32
        %add3A_216 = arith.addi %mul3A_125, %add3A_215 : i32
        %add3A_217 = vector.broadcast %add3A_216 : i32 to vector<16xi32>
        %add3A_218 = arith.addi %broadcast_in_dim3A_63, %add3A_217 : vector<16xi32>
        %get3A_219 = arith.index_cast %add3A_216 : i32 to index
        %get3A_220 = arith.constant 0 : index
        %get3A_221 = tpu.vector_load %arg6[%get3A_219, %get3A_220] {strides = array<i32>} : memref<512x32xf32, #tpu.memory_space<vmem>>, vector<16xf32>,
        tpu.vector_store_idx %arg8[%iota3A, %add3A_218], %get3A_221 : memref<32x513xf32, #tpu.memory_space<vmem>>[vector<16xi32>, vector<16xi32>], vector<16xf32>,
        %get3A_222 = arith.index_cast %add3A_216 : i32 to index
        %get3A_223 = arith.constant 16 : index
        %get3A_224 = tpu.vector_load %arg6[%get3A_222, %get3A_223] {strides = array<i32>} : memref<512x32xf32, #tpu.memory_space<vmem>>, vector<16xf32>,
        tpu.vector_store_idx %arg8[%add3A_62, %add3A_218], %get3A_224 : memref<32x513xf32, #tpu.memory_space<vmem>>[vector<16xi32>, vector<16xi32>], vector<16xf32>,
        %add3A_225 = arith.constant 10 : i32
        %add3A_226 = arith.addi %mul3A_125, %add3A_225 : i32
        %add3A_227 = vector.broadcast %add3A_226 : i32 to vector<16xi32>
        %add3A_228 = arith.addi %broadcast_in_dim3A_63, %add3A_227 : vector<16xi32>
        %get3A_229 = arith.index_cast %add3A_226 : i32 to index
        %get3A_230 = arith.constant 0 : index
        %get3A_231 = tpu.vector_load %arg6[%get3A_229, %get3A_230] {strides = array<i32>} : memref<512x32xf32, #tpu.memory_space<vmem>>, vector<16xf32>,
        tpu.vector_store_idx %arg8[%iota3A, %add3A_228], %get3A_231 : memref<32x513xf32, #tpu.memory_space<vmem>>[vector<16xi32>, vector<16xi32>], vector<16xf32>,
        %get3A_232 = arith.index_cast %add3A_226 : i32 to index
        %get3A_233 = arith.constant 16 : index
        %get3A_234 = tpu.vector_load %arg6[%get3A_232, %get3A_233] {strides = array<i32>} : memref<512x32xf32, #tpu.memory_space<vmem>>, vector<16xf32>,
        tpu.vector_store_idx %arg8[%add3A_62, %add3A_228], %get3A_234 : memref<32x513xf32, #tpu.memory_space<vmem>>[vector<16xi32>, vector<16xi32>], vector<16xf32>,
        %add3A_235 = arith.constant 11 : i32
        %add3A_236 = arith.addi %mul3A_125, %add3A_235 : i32
        %add3A_237 = vector.broadcast %add3A_236 : i32 to vector<16xi32>
        %add3A_238 = arith.addi %broadcast_in_dim3A_63, %add3A_237 : vector<16xi32>
        %get3A_239 = arith.index_cast %add3A_236 : i32 to index
        %get3A_240 = arith.constant 0 : index
        %get3A_241 = tpu.vector_load %arg6[%get3A_239, %get3A_240] {strides = array<i32>} : memref<512x32xf32, #tpu.memory_space<vmem>>, vector<16xf32>,
        tpu.vector_store_idx %arg8[%iota3A, %add3A_238], %get3A_241 : memref<32x513xf32, #tpu.memory_space<vmem>>[vector<16xi32>, vector<16xi32>], vector<16xf32>,
        %get3A_242 = arith.index_cast %add3A_236 : i32 to index
        %get3A_243 = arith.constant 16 : index
        %get3A_244 = tpu.vector_load %arg6[%get3A_242, %get3A_243] {strides = array<i32>} : memref<512x32xf32, #tpu.memory_space<vmem>>, vector<16xf32>,
        tpu.vector_store_idx %arg8[%add3A_62, %add3A_238], %get3A_244 : memref<32x513xf32, #tpu.memory_space<vmem>>[vector<16xi32>, vector<16xi32>], vector<16xf32>,
        %add3A_245 = arith.constant 12 : i32
        %add3A_246 = arith.addi %mul3A_125, %add3A_245 : i32
        %add3A_247 = vector.broadcast %add3A_246 : i32 to vector<16xi32>
        %add3A_248 = arith.addi %broadcast_in_dim3A_63, %add3A_247 : vector<16xi32>
        %get3A_249 = arith.index_cast %add3A_246 : i32 to index
        %get3A_250 = arith.constant 0 : index
        %get3A_251 = tpu.vector_load %arg6[%get3A_249, %get3A_250] {strides = array<i32>} : memref<512x32xf32, #tpu.memory_space<vmem>>, vector<16xf32>,
        tpu.vector_store_idx %arg8[%iota3A, %add3A_248], %get3A_251 : memref<32x513xf32, #tpu.memory_space<vmem>>[vector<16xi32>, vector<16xi32>], vector<16xf32>,
        %get3A_252 = arith.index_cast %add3A_246 : i32 to index
        %get3A_253 = arith.constant 16 : index
        %get3A_254 = tpu.vector_load %arg6[%get3A_252, %get3A_253] {strides = array<i32>} : memref<512x32xf32, #tpu.memory_space<vmem>>, vector<16xf32>,
        tpu.vector_store_idx %arg8[%add3A_62, %add3A_248], %get3A_254 : memref<32x513xf32, #tpu.memory_space<vmem>>[vector<16xi32>, vector<16xi32>], vector<16xf32>,
        %add3A_255 = arith.constant 13 : i32
        %add3A_256 = arith.addi %mul3A_125, %add3A_255 : i32
        %add3A_257 = vector.broadcast %add3A_256 : i32 to vector<16xi32>
        %add3A_258 = arith.addi %broadcast_in_dim3A_63, %add3A_257 : vector<16xi32>
        %get3A_259 = arith.index_cast %add3A_256 : i32 to index
        %get3A_260 = arith.constant 0 : index
        %get3A_261 = tpu.vector_load %arg6[%get3A_259, %get3A_260] {strides = array<i32>} : memref<512x32xf32, #tpu.memory_space<vmem>>, vector<16xf32>,
        tpu.vector_store_idx %arg8[%iota3A, %add3A_258], %get3A_261 : memref<32x513xf32, #tpu.memory_space<vmem>>[vector<16xi32>, vector<16xi32>], vector<16xf32>,
        %get3A_262 = arith.index_cast %add3A_256 : i32 to index
        %get3A_263 = arith.constant 16 : index
        %get3A_264 = tpu.vector_load %arg6[%get3A_262, %get3A_263] {strides = array<i32>} : memref<512x32xf32, #tpu.memory_space<vmem>>, vector<16xf32>,
        tpu.vector_store_idx %arg8[%add3A_62, %add3A_258], %get3A_264 : memref<32x513xf32, #tpu.memory_space<vmem>>[vector<16xi32>, vector<16xi32>], vector<16xf32>,
        %add3A_265 = arith.constant 14 : i32
        %add3A_266 = arith.addi %mul3A_125, %add3A_265 : i32
        %add3A_267 = vector.broadcast %add3A_266 : i32 to vector<16xi32>
        %add3A_268 = arith.addi %broadcast_in_dim3A_63, %add3A_267 : vector<16xi32>
        %get3A_269 = arith.index_cast %add3A_266 : i32 to index
        %get3A_270 = arith.constant 0 : index
        %get3A_271 = tpu.vector_load %arg6[%get3A_269, %get3A_270] {strides = array<i32>} : memref<512x32xf32, #tpu.memory_space<vmem>>, vector<16xf32>,
        tpu.vector_store_idx %arg8[%iota3A, %add3A_268], %get3A_271 : memref<32x513xf32, #tpu.memory_space<vmem>>[vector<16xi32>, vector<16xi32>], vector<16xf32>,
        %get3A_272 = arith.index_cast %add3A_266 : i32 to index
        %get3A_273 = arith.constant 16 : index
        %get3A_274 = tpu.vector_load %arg6[%get3A_272, %get3A_273] {strides = array<i32>} : memref<512x32xf32, #tpu.memory_space<vmem>>, vector<16xf32>,
        tpu.vector_store_idx %arg8[%add3A_62, %add3A_268], %get3A_274 : memref<32x513xf32, #tpu.memory_space<vmem>>[vector<16xi32>, vector<16xi32>], vector<16xf32>,
        %add3A_275 = arith.constant 15 : i32
        %add3A_276 = arith.addi %mul3A_125, %add3A_275 : i32
        %add3A_277 = vector.broadcast %add3A_276 : i32 to vector<16xi32>
        %add3A_278 = arith.addi %broadcast_in_dim3A_63, %add3A_277 : vector<16xi32>
        %get3A_279 = arith.index_cast %add3A_276 : i32 to index
        %get3A_280 = arith.constant 0 : index
        %get3A_281 = tpu.vector_load %arg6[%get3A_279, %get3A_280] {strides = array<i32>} : memref<512x32xf32, #tpu.memory_space<vmem>>, vector<16xf32>,
        tpu.vector_store_idx %arg8[%iota3A, %add3A_278], %get3A_281 : memref<32x513xf32, #tpu.memory_space<vmem>>[vector<16xi32>, vector<16xi32>], vector<16xf32>,
        %get3A_282 = arith.index_cast %add3A_276 : i32 to index
        %get3A_283 = arith.constant 16 : index
        %get3A_284 = tpu.vector_load %arg6[%get3A_282, %get3A_283] {strides = array<i32>} : memref<512x32xf32, #tpu.memory_space<vmem>>, vector<16xf32>,
        tpu.vector_store_idx %arg8[%add3A_62, %add3A_278], %get3A_284 : memref<32x513xf32, #tpu.memory_space<vmem>>[vector<16xi32>, vector<16xi32>], vector<16xf32>,
      }
      %scan3A_69 = arith.constant 32 : i32
      %dma_start3A_70 = arith.constant 0 : i32
      %dma_start3A_71 = arith.constant 0 : i32
      %dma_start3A_72 = arith.constant 0 : i32
      %dma_start3A_73 = tpu.memref_slice %arg8[%dma_start3A_71, %dma_start3A_72] : memref<32x513xf32, #tpu.memory_space<vmem>> -> memref<32x512xf32, #tpu.memory_space<vmem>>
      %dma_start3A_74 = arith.constant 0 : i32
      %dma_start3A_75 = tpu.memref_slice %arg4[%mul3A_43, %dma_start3A_70, %dma_start3A_74, %mul3A_2] : memref<100x1x32x16384xf32, #tpu.memory_space<hbm>> -> memref<1x1x32x512xf32, #tpu.memory_space<hbm>>
      %dma_start3A_76 = tpu.memref_squeeze %dma_start3A_75 : memref<1x1x32x512xf32, #tpu.memory_space<hbm>> -> memref<32x512xf32, #tpu.memory_space<hbm>>
      %dma_start3A_77 = arith.constant 0 : i32
      %dma_start3A_78 = tpu.memref_slice %arg4[%mul3A_43, %dma_start3A_70, %dma_start3A_77, %mul3A_2] : memref<100x1x32x16384xf32, #tpu.memory_space<hbm>> -> memref<1x1x32x512xf32, #tpu.memory_space<hbm>>
      %dma_start3A_79 = tpu.memref_squeeze %dma_start3A_78 : memref<1x1x32x512xf32, #tpu.memory_space<hbm>> -> memref<32x512xf32, #tpu.memory_space<hbm>>
      %dma_start3A_80 = arith.constant 0 : i32
      %dma_start3A_81 = arith.constant 0 : i32
      %dma_start3A_82 = tpu.memref_slice %arg8[%dma_start3A_80, %dma_start3A_81] : memref<32x513xf32, #tpu.memory_space<vmem>> -> memref<32x512xf32, #tpu.memory_space<vmem>>
      tpu.enqueue_dma source(%dma_start3A_82 : memref<32x512xf32, #tpu.memory_space<vmem>>) target(%dma_start3A_79 : memref<32x512xf32, #tpu.memory_space<hbm>>) target_semaphore(%arg12 : memref<!tpu.dma_semaphore, #tpu.memory_space<semaphore_mem>>)
      %lt3A = arith.constant 49 : i32
      %lt3A_83 = arith.cmpi slt, %scan3A_41, %lt3A : i32
      %convert_element_type3A_84 = arith.extui %lt3A_83 : i1 to i32
      %cond3A_85 = arith.constant 0 : i32
      %cond3A_86 = arith.cmpi ne, %convert_element_type3A_84, %cond3A_85 : i32
      scf.if %cond3A_86 {
        %add3A_123 = arith.constant 2 : i32
        %add3A_124 = arith.addi %mul3A_43, %add3A_123 : i32
        %dma_start3A_125 = arith.constant 0 : i32
        %dma_start3A_126 = tpu.memref_slice %arg5[%add3A_124, %dma_start3A_125] : memref<100x512xi32, #tpu.memory_space<vmem>> -> memref<1x512xi32, #tpu.memory_space<vmem>>
        %dma_start3A_127 = tpu.memref_squeeze %dma_start3A_126 : memref<1x512xi32, #tpu.memory_space<vmem>> -> memref<512xi32, #tpu.memory_space<vmem>>
        %dma_start3A_128 = arith.constant 0 : i32
        %dma_start3A_129 = arith.constant 0 : i32
        %dma_start3A_130 = tpu.memref_slice %arg2[%dma_start3A_128, %dma_start3A_129] : memref<1000000x32xf32, #tpu.memory_space<hbm>> -> memref<1000000x32xf32, #tpu.memory_space<hbm>>
        tpu.enqueue_indirect_dma source(%dma_start3A_130 : memref<1000000x32xf32, #tpu.memory_space<hbm>>) target(%arg6 : memref<512x32xf32, #tpu.memory_space<vmem>>) offsets(%dma_start3A_127 : memref<512xi32, #tpu.memory_space<vmem>>) semaphore(%arg10 : memref<!tpu.dma_semaphore, #tpu.memory_space<semaphore_mem>>)
      } else {
      }
      %dma_wait3A_87 = arith.constant 0 : i32
      %dma_wait3A_88 = tpu.memref_slice %arg5[%add3A_45, %dma_wait3A_87] : memref<100x512xi32, #tpu.memory_space<vmem>> -> memref<1x512xi32, #tpu.memory_space<vmem>>
      %dma_wait3A_89 = tpu.memref_squeeze %dma_wait3A_88 : memref<1x512xi32, #tpu.memory_space<vmem>> -> memref<512xi32, #tpu.memory_space<vmem>>
      %dma_wait3A_90 = arith.constant 0 : i32
      %dma_wait3A_91 = arith.constant 0 : i32
      %dma_wait3A_92 = tpu.memref_slice %arg2[%dma_wait3A_90, %dma_wait3A_91] : memref<1000000x32xf32, #tpu.memory_space<hbm>> -> memref<1000000x32xf32, #tpu.memory_space<hbm>>
      tpu.wait_indirect_dma semaphore(%arg11 : memref<!tpu.dma_semaphore, #tpu.memory_space<semaphore_mem>>) src(%dma_wait3A_92 : memref<1000000x32xf32, #tpu.memory_space<hbm>>) dst(%arg7 : memref<512x32xf32, #tpu.memory_space<vmem>>)
      %ge3A_93 = arith.constant 1 : i32
      %ge3A_94 = arith.cmpi sge, %scan3A_41, %ge3A_93 : i32
      %convert_element_type3A_95 = arith.extui %ge3A_94 : i1 to i32
      %cond3A_96 = arith.constant 0 : i32
      %cond3A_97 = arith.cmpi ne, %convert_element_type3A_95, %cond3A_96 : i32
      scf.if %cond3A_97 {
        %dma_wait3A_123 = arith.constant 0 : i32
        %dma_wait3A_124 = arith.constant 0 : i32
        %dma_wait3A_125 = arith.constant 0 : i32
        %dma_wait3A_126 = tpu.memref_slice %arg9[%dma_wait3A_124, %dma_wait3A_125] : memref<32x513xf32, #tpu.memory_space<vmem>> -> memref<32x512xf32, #tpu.memory_space<vmem>>
        %dma_wait3A_127 = arith.constant 0 : i32
        %dma_wait3A_128 = tpu.memref_slice %arg4[%add3A_45, %dma_wait3A_123, %dma_wait3A_127, %mul3A_2] : memref<100x1x32x16384xf32, #tpu.memory_space<hbm>> -> memref<1x1x32x512xf32, #tpu.memory_space<hbm>>
        %dma_wait3A_129 = tpu.memref_squeeze %dma_wait3A_128 : memref<1x1x32x512xf32, #tpu.memory_space<hbm>> -> memref<32x512xf32, #tpu.memory_space<hbm>>
        %dma_wait3A_130 = arith.constant 0 : i32
        %dma_wait3A_131 = tpu.memref_slice %arg4[%add3A_45, %dma_wait3A_123, %dma_wait3A_130, %mul3A_2] : memref<100x1x32x16384xf32, #tpu.memory_space<hbm>> -> memref<1x1x32x512xf32, #tpu.memory_space<hbm>>
        %dma_wait3A_132 = tpu.memref_squeeze %dma_wait3A_131 : memref<1x1x32x512xf32, #tpu.memory_space<hbm>> -> memref<32x512xf32, #tpu.memory_space<hbm>>
        %dma_wait3A_133 = arith.constant 0 : i32
        %dma_wait3A_134 = arith.constant 0 : i32
        %dma_wait3A_135 = tpu.memref_slice %arg9[%dma_wait3A_133, %dma_wait3A_134] : memref<32x513xf32, #tpu.memory_space<vmem>> -> memref<32x512xf32, #tpu.memory_space<vmem>>
        tpu.wait_dma2 semaphore(%arg13 : memref<!tpu.dma_semaphore, #tpu.memory_space<semaphore_mem>>) src(%dma_wait3A_135 : memref<32x512xf32, #tpu.memory_space<vmem>>) dst(%dma_wait3A_132 : memref<32x512xf32, #tpu.memory_space<hbm>>)
      } else {
      }
      %iota3A_98 = tpu.iota {dimensions = array<i32: 0>} : vector<16xi32>
      %add3A_99 = arith.constant 16 : i32
      %add3A_100 = vector.broadcast %add3A_99 : i32 to vector<16xi32>
      %add3A_101 = arith.addi %iota3A_98, %add3A_100 : vector<16xi32>
      %broadcast_in_dim3A_102 = arith.constant 0 : i32
      %broadcast_in_dim3A_103 = vector.broadcast %broadcast_in_dim3A_102 : i32 to vector<16xi32>
      %scan3A_104 = arith.constant 0 : i32
      %scan3A_105 = arith.constant 0 : i32
      %scan3A_106 = arith.constant 32 : i32
      %scan3A_107 = arith.addi %scan3A_105, %scan3A_106 : i32
      %scan3A_108 = arith.constant 1 : i32
      scf.for %scan3A_123 = %scan3A_105 to %scan3A_107 step %scan3A_108  : i32 {
        %mul3A_124 = arith.constant 16 : i32
        %mul3A_125 = arith.muli %scan3A_123, %mul3A_124 : i32
        %add3A_126 = arith.constant 0 : i32
        %add3A_127 = arith.addi %mul3A_125, %add3A_126 : i32
        %add3A_128 = vector.broadcast %add3A_127 : i32 to vector<16xi32>
        %add3A_129 = arith.addi %broadcast_in_dim3A_103, %add3A_128 : vector<16xi32>
        %get3A = arith.index_cast %add3A_127 : i32 to index
        %get3A_130 = arith.constant 0 : index
        %get3A_131 = tpu.vector_load %arg7[%get3A, %get3A_130] {strides = array<i32>} : memref<512x32xf32, #tpu.memory_space<vmem>>, vector<16xf32>,
        tpu.vector_store_idx %arg9[%iota3A_98, %add3A_129], %get3A_131 : memref<32x513xf32, #tpu.memory_space<vmem>>[vector<16xi32>, vector<16xi32>], vector<16xf32>,
        %get3A_132 = arith.index_cast %add3A_127 : i32 to index
        %get3A_133 = arith.constant 16 : index
        %get3A_134 = tpu.vector_load %arg7[%get3A_132, %get3A_133] {strides = array<i32>} : memref<512x32xf32, #tpu.memory_space<vmem>>, vector<16xf32>,
        tpu.vector_store_idx %arg9[%add3A_101, %add3A_129], %get3A_134 : memref<32x513xf32, #tpu.memory_space<vmem>>[vector<16xi32>, vector<16xi32>], vector<16xf32>,
        %add3A_135 = arith.constant 1 : i32
        %add3A_136 = arith.addi %mul3A_125, %add3A_135 : i32
        %add3A_137 = vector.broadcast %add3A_136 : i32 to vector<16xi32>
        %add3A_138 = arith.addi %broadcast_in_dim3A_103, %add3A_137 : vector<16xi32>
        %get3A_139 = arith.index_cast %add3A_136 : i32 to index
        %get3A_140 = arith.constant 0 : index
        %get3A_141 = tpu.vector_load %arg7[%get3A_139, %get3A_140] {strides = array<i32>} : memref<512x32xf32, #tpu.memory_space<vmem>>, vector<16xf32>,
        tpu.vector_store_idx %arg9[%iota3A_98, %add3A_138], %get3A_141 : memref<32x513xf32, #tpu.memory_space<vmem>>[vector<16xi32>, vector<16xi32>], vector<16xf32>,
        %get3A_142 = arith.index_cast %add3A_136 : i32 to index
        %get3A_143 = arith.constant 16 : index
        %get3A_144 = tpu.vector_load %arg7[%get3A_142, %get3A_143] {strides = array<i32>} : memref<512x32xf32, #tpu.memory_space<vmem>>, vector<16xf32>,
        tpu.vector_store_idx %arg9[%add3A_101, %add3A_138], %get3A_144 : memref<32x513xf32, #tpu.memory_space<vmem>>[vector<16xi32>, vector<16xi32>], vector<16xf32>,
        %add3A_145 = arith.constant 2 : i32
        %add3A_146 = arith.addi %mul3A_125, %add3A_145 : i32
        %add3A_147 = vector.broadcast %add3A_146 : i32 to vector<16xi32>
        %add3A_148 = arith.addi %broadcast_in_dim3A_103, %add3A_147 : vector<16xi32>
        %get3A_149 = arith.index_cast %add3A_146 : i32 to index
        %get3A_150 = arith.constant 0 : index
        %get3A_151 = tpu.vector_load %arg7[%get3A_149, %get3A_150] {strides = array<i32>} : memref<512x32xf32, #tpu.memory_space<vmem>>, vector<16xf32>,
        tpu.vector_store_idx %arg9[%iota3A_98, %add3A_148], %get3A_151 : memref<32x513xf32, #tpu.memory_space<vmem>>[vector<16xi32>, vector<16xi32>], vector<16xf32>,
        %get3A_152 = arith.index_cast %add3A_146 : i32 to index
        %get3A_153 = arith.constant 16 : index
        %get3A_154 = tpu.vector_load %arg7[%get3A_152, %get3A_153] {strides = array<i32>} : memref<512x32xf32, #tpu.memory_space<vmem>>, vector<16xf32>,
        tpu.vector_store_idx %arg9[%add3A_101, %add3A_148], %get3A_154 : memref<32x513xf32, #tpu.memory_space<vmem>>[vector<16xi32>, vector<16xi32>], vector<16xf32>,
        %add3A_155 = arith.constant 3 : i32
        %add3A_156 = arith.addi %mul3A_125, %add3A_155 : i32
        %add3A_157 = vector.broadcast %add3A_156 : i32 to vector<16xi32>
        %add3A_158 = arith.addi %broadcast_in_dim3A_103, %add3A_157 : vector<16xi32>
        %get3A_159 = arith.index_cast %add3A_156 : i32 to index
        %get3A_160 = arith.constant 0 : index
        %get3A_161 = tpu.vector_load %arg7[%get3A_159, %get3A_160] {strides = array<i32>} : memref<512x32xf32, #tpu.memory_space<vmem>>, vector<16xf32>,
        tpu.vector_store_idx %arg9[%iota3A_98, %add3A_158], %get3A_161 : memref<32x513xf32, #tpu.memory_space<vmem>>[vector<16xi32>, vector<16xi32>], vector<16xf32>,
        %get3A_162 = arith.index_cast %add3A_156 : i32 to index
        %get3A_163 = arith.constant 16 : index
        %get3A_164 = tpu.vector_load %arg7[%get3A_162, %get3A_163] {strides = array<i32>} : memref<512x32xf32, #tpu.memory_space<vmem>>, vector<16xf32>,
        tpu.vector_store_idx %arg9[%add3A_101, %add3A_158], %get3A_164 : memref<32x513xf32, #tpu.memory_space<vmem>>[vector<16xi32>, vector<16xi32>], vector<16xf32>,
        %add3A_165 = arith.constant 4 : i32
        %add3A_166 = arith.addi %mul3A_125, %add3A_165 : i32
        %add3A_167 = vector.broadcast %add3A_166 : i32 to vector<16xi32>
        %add3A_168 = arith.addi %broadcast_in_dim3A_103, %add3A_167 : vector<16xi32>
        %get3A_169 = arith.index_cast %add3A_166 : i32 to index
        %get3A_170 = arith.constant 0 : index
        %get3A_171 = tpu.vector_load %arg7[%get3A_169, %get3A_170] {strides = array<i32>} : memref<512x32xf32, #tpu.memory_space<vmem>>, vector<16xf32>,
        tpu.vector_store_idx %arg9[%iota3A_98, %add3A_168], %get3A_171 : memref<32x513xf32, #tpu.memory_space<vmem>>[vector<16xi32>, vector<16xi32>], vector<16xf32>,
        %get3A_172 = arith.index_cast %add3A_166 : i32 to index
        %get3A_173 = arith.constant 16 : index
        %get3A_174 = tpu.vector_load %arg7[%get3A_172, %get3A_173] {strides = array<i32>} : memref<512x32xf32, #tpu.memory_space<vmem>>, vector<16xf32>,
        tpu.vector_store_idx %arg9[%add3A_101, %add3A_168], %get3A_174 : memref<32x513xf32, #tpu.memory_space<vmem>>[vector<16xi32>, vector<16xi32>], vector<16xf32>,
        %add3A_175 = arith.constant 5 : i32
        %add3A_176 = arith.addi %mul3A_125, %add3A_175 : i32
        %add3A_177 = vector.broadcast %add3A_176 : i32 to vector<16xi32>
        %add3A_178 = arith.addi %broadcast_in_dim3A_103, %add3A_177 : vector<16xi32>
        %get3A_179 = arith.index_cast %add3A_176 : i32 to index
        %get3A_180 = arith.constant 0 : index
        %get3A_181 = tpu.vector_load %arg7[%get3A_179, %get3A_180] {strides = array<i32>} : memref<512x32xf32, #tpu.memory_space<vmem>>, vector<16xf32>,
        tpu.vector_store_idx %arg9[%iota3A_98, %add3A_178], %get3A_181 : memref<32x513xf32, #tpu.memory_space<vmem>>[vector<16xi32>, vector<16xi32>], vector<16xf32>,
        %get3A_182 = arith.index_cast %add3A_176 : i32 to index
        %get3A_183 = arith.constant 16 : index
        %get3A_184 = tpu.vector_load %arg7[%get3A_182, %get3A_183] {strides = array<i32>} : memref<512x32xf32, #tpu.memory_space<vmem>>, vector<16xf32>,
        tpu.vector_store_idx %arg9[%add3A_101, %add3A_178], %get3A_184 : memref<32x513xf32, #tpu.memory_space<vmem>>[vector<16xi32>, vector<16xi32>], vector<16xf32>,
        %add3A_185 = arith.constant 6 : i32
        %add3A_186 = arith.addi %mul3A_125, %add3A_185 : i32
        %add3A_187 = vector.broadcast %add3A_186 : i32 to vector<16xi32>
        %add3A_188 = arith.addi %broadcast_in_dim3A_103, %add3A_187 : vector<16xi32>
        %get3A_189 = arith.index_cast %add3A_186 : i32 to index
        %get3A_190 = arith.constant 0 : index
        %get3A_191 = tpu.vector_load %arg7[%get3A_189, %get3A_190] {strides = array<i32>} : memref<512x32xf32, #tpu.memory_space<vmem>>, vector<16xf32>,
        tpu.vector_store_idx %arg9[%iota3A_98, %add3A_188], %get3A_191 : memref<32x513xf32, #tpu.memory_space<vmem>>[vector<16xi32>, vector<16xi32>], vector<16xf32>,
        %get3A_192 = arith.index_cast %add3A_186 : i32 to index
        %get3A_193 = arith.constant 16 : index
        %get3A_194 = tpu.vector_load %arg7[%get3A_192, %get3A_193] {strides = array<i32>} : memref<512x32xf32, #tpu.memory_space<vmem>>, vector<16xf32>,
        tpu.vector_store_idx %arg9[%add3A_101, %add3A_188], %get3A_194 : memref<32x513xf32, #tpu.memory_space<vmem>>[vector<16xi32>, vector<16xi32>], vector<16xf32>,
        %add3A_195 = arith.constant 7 : i32
        %add3A_196 = arith.addi %mul3A_125, %add3A_195 : i32
        %add3A_197 = vector.broadcast %add3A_196 : i32 to vector<16xi32>
        %add3A_198 = arith.addi %broadcast_in_dim3A_103, %add3A_197 : vector<16xi32>
        %get3A_199 = arith.index_cast %add3A_196 : i32 to index
        %get3A_200 = arith.constant 0 : index
        %get3A_201 = tpu.vector_load %arg7[%get3A_199, %get3A_200] {strides = array<i32>} : memref<512x32xf32, #tpu.memory_space<vmem>>, vector<16xf32>,
        tpu.vector_store_idx %arg9[%iota3A_98, %add3A_198], %get3A_201 : memref<32x513xf32, #tpu.memory_space<vmem>>[vector<16xi32>, vector<16xi32>], vector<16xf32>,
        %get3A_202 = arith.index_cast %add3A_196 : i32 to index
        %get3A_203 = arith.constant 16 : index
        %get3A_204 = tpu.vector_load %arg7[%get3A_202, %get3A_203] {strides = array<i32>} : memref<512x32xf32, #tpu.memory_space<vmem>>, vector<16xf32>,
        tpu.vector_store_idx %arg9[%add3A_101, %add3A_198], %get3A_204 : memref<32x513xf32, #tpu.memory_space<vmem>>[vector<16xi32>, vector<16xi32>], vector<16xf32>,
        %add3A_205 = arith.constant 8 : i32
        %add3A_206 = arith.addi %mul3A_125, %add3A_205 : i32
        %add3A_207 = vector.broadcast %add3A_206 : i32 to vector<16xi32>
        %add3A_208 = arith.addi %broadcast_in_dim3A_103, %add3A_207 : vector<16xi32>
        %get3A_209 = arith.index_cast %add3A_206 : i32 to index
        %get3A_210 = arith.constant 0 : index
        %get3A_211 = tpu.vector_load %arg7[%get3A_209, %get3A_210] {strides = array<i32>} : memref<512x32xf32, #tpu.memory_space<vmem>>, vector<16xf32>,
        tpu.vector_store_idx %arg9[%iota3A_98, %add3A_208], %get3A_211 : memref<32x513xf32, #tpu.memory_space<vmem>>[vector<16xi32>, vector<16xi32>], vector<16xf32>,
        %get3A_212 = arith.index_cast %add3A_206 : i32 to index
        %get3A_213 = arith.constant 16 : index
        %get3A_214 = tpu.vector_load %arg7[%get3A_212, %get3A_213] {strides = array<i32>} : memref<512x32xf32, #tpu.memory_space<vmem>>, vector<16xf32>,
        tpu.vector_store_idx %arg9[%add3A_101, %add3A_208], %get3A_214 : memref<32x513xf32, #tpu.memory_space<vmem>>[vector<16xi32>, vector<16xi32>], vector<16xf32>,
        %add3A_215 = arith.constant 9 : i32
        %add3A_216 = arith.addi %mul3A_125, %add3A_215 : i32
        %add3A_217 = vector.broadcast %add3A_216 : i32 to vector<16xi32>
        %add3A_218 = arith.addi %broadcast_in_dim3A_103, %add3A_217 : vector<16xi32>
        %get3A_219 = arith.index_cast %add3A_216 : i32 to index
        %get3A_220 = arith.constant 0 : index
        %get3A_221 = tpu.vector_load %arg7[%get3A_219, %get3A_220] {strides = array<i32>} : memref<512x32xf32, #tpu.memory_space<vmem>>, vector<16xf32>,
        tpu.vector_store_idx %arg9[%iota3A_98, %add3A_218], %get3A_221 : memref<32x513xf32, #tpu.memory_space<vmem>>[vector<16xi32>, vector<16xi32>], vector<16xf32>,
        %get3A_222 = arith.index_cast %add3A_216 : i32 to index
        %get3A_223 = arith.constant 16 : index
        %get3A_224 = tpu.vector_load %arg7[%get3A_222, %get3A_223] {strides = array<i32>} : memref<512x32xf32, #tpu.memory_space<vmem>>, vector<16xf32>,
        tpu.vector_store_idx %arg9[%add3A_101, %add3A_218], %get3A_224 : memref<32x513xf32, #tpu.memory_space<vmem>>[vector<16xi32>, vector<16xi32>], vector<16xf32>,
        %add3A_225 = arith.constant 10 : i32
        %add3A_226 = arith.addi %mul3A_125, %add3A_225 : i32
        %add3A_227 = vector.broadcast %add3A_226 : i32 to vector<16xi32>
        %add3A_228 = arith.addi %broadcast_in_dim3A_103, %add3A_227 : vector<16xi32>
        %get3A_229 = arith.index_cast %add3A_226 : i32 to index
        %get3A_230 = arith.constant 0 : index
        %get3A_231 = tpu.vector_load %arg7[%get3A_229, %get3A_230] {strides = array<i32>} : memref<512x32xf32, #tpu.memory_space<vmem>>, vector<16xf32>,
        tpu.vector_store_idx %arg9[%iota3A_98, %add3A_228], %get3A_231 : memref<32x513xf32, #tpu.memory_space<vmem>>[vector<16xi32>, vector<16xi32>], vector<16xf32>,
        %get3A_232 = arith.index_cast %add3A_226 : i32 to index
        %get3A_233 = arith.constant 16 : index
        %get3A_234 = tpu.vector_load %arg7[%get3A_232, %get3A_233] {strides = array<i32>} : memref<512x32xf32, #tpu.memory_space<vmem>>, vector<16xf32>,
        tpu.vector_store_idx %arg9[%add3A_101, %add3A_228], %get3A_234 : memref<32x513xf32, #tpu.memory_space<vmem>>[vector<16xi32>, vector<16xi32>], vector<16xf32>,
        %add3A_235 = arith.constant 11 : i32
        %add3A_236 = arith.addi %mul3A_125, %add3A_235 : i32
        %add3A_237 = vector.broadcast %add3A_236 : i32 to vector<16xi32>
        %add3A_238 = arith.addi %broadcast_in_dim3A_103, %add3A_237 : vector<16xi32>
        %get3A_239 = arith.index_cast %add3A_236 : i32 to index
        %get3A_240 = arith.constant 0 : index
        %get3A_241 = tpu.vector_load %arg7[%get3A_239, %get3A_240] {strides = array<i32>} : memref<512x32xf32, #tpu.memory_space<vmem>>, vector<16xf32>,
        tpu.vector_store_idx %arg9[%iota3A_98, %add3A_238], %get3A_241 : memref<32x513xf32, #tpu.memory_space<vmem>>[vector<16xi32>, vector<16xi32>], vector<16xf32>,
        %get3A_242 = arith.index_cast %add3A_236 : i32 to index
        %get3A_243 = arith.constant 16 : index
        %get3A_244 = tpu.vector_load %arg7[%get3A_242, %get3A_243] {strides = array<i32>} : memref<512x32xf32, #tpu.memory_space<vmem>>, vector<16xf32>,
        tpu.vector_store_idx %arg9[%add3A_101, %add3A_238], %get3A_244 : memref<32x513xf32, #tpu.memory_space<vmem>>[vector<16xi32>, vector<16xi32>], vector<16xf32>,
        %add3A_245 = arith.constant 12 : i32
        %add3A_246 = arith.addi %mul3A_125, %add3A_245 : i32
        %add3A_247 = vector.broadcast %add3A_246 : i32 to vector<16xi32>
        %add3A_248 = arith.addi %broadcast_in_dim3A_103, %add3A_247 : vector<16xi32>
        %get3A_249 = arith.index_cast %add3A_246 : i32 to index
        %get3A_250 = arith.constant 0 : index
        %get3A_251 = tpu.vector_load %arg7[%get3A_249, %get3A_250] {strides = array<i32>} : memref<512x32xf32, #tpu.memory_space<vmem>>, vector<16xf32>,
        tpu.vector_store_idx %arg9[%iota3A_98, %add3A_248], %get3A_251 : memref<32x513xf32, #tpu.memory_space<vmem>>[vector<16xi32>, vector<16xi32>], vector<16xf32>,
        %get3A_252 = arith.index_cast %add3A_246 : i32 to index
        %get3A_253 = arith.constant 16 : index
        %get3A_254 = tpu.vector_load %arg7[%get3A_252, %get3A_253] {strides = array<i32>} : memref<512x32xf32, #tpu.memory_space<vmem>>, vector<16xf32>,
        tpu.vector_store_idx %arg9[%add3A_101, %add3A_248], %get3A_254 : memref<32x513xf32, #tpu.memory_space<vmem>>[vector<16xi32>, vector<16xi32>], vector<16xf32>,
        %add3A_255 = arith.constant 13 : i32
        %add3A_256 = arith.addi %mul3A_125, %add3A_255 : i32
        %add3A_257 = vector.broadcast %add3A_256 : i32 to vector<16xi32>
        %add3A_258 = arith.addi %broadcast_in_dim3A_103, %add3A_257 : vector<16xi32>
        %get3A_259 = arith.index_cast %add3A_256 : i32 to index
        %get3A_260 = arith.constant 0 : index
        %get3A_261 = tpu.vector_load %arg7[%get3A_259, %get3A_260] {strides = array<i32>} : memref<512x32xf32, #tpu.memory_space<vmem>>, vector<16xf32>,
        tpu.vector_store_idx %arg9[%iota3A_98, %add3A_258], %get3A_261 : memref<32x513xf32, #tpu.memory_space<vmem>>[vector<16xi32>, vector<16xi32>], vector<16xf32>,
        %get3A_262 = arith.index_cast %add3A_256 : i32 to index
        %get3A_263 = arith.constant 16 : index
        %get3A_264 = tpu.vector_load %arg7[%get3A_262, %get3A_263] {strides = array<i32>} : memref<512x32xf32, #tpu.memory_space<vmem>>, vector<16xf32>,
        tpu.vector_store_idx %arg9[%add3A_101, %add3A_258], %get3A_264 : memref<32x513xf32, #tpu.memory_space<vmem>>[vector<16xi32>, vector<16xi32>], vector<16xf32>,
        %add3A_265 = arith.constant 14 : i32
        %add3A_266 = arith.addi %mul3A_125, %add3A_265 : i32
        %add3A_267 = vector.broadcast %add3A_266 : i32 to vector<16xi32>
        %add3A_268 = arith.addi %broadcast_in_dim3A_103, %add3A_267 : vector<16xi32>
        %get3A_269 = arith.index_cast %add3A_266 : i32 to index
        %get3A_270 = arith.constant 0 : index
        %get3A_271 = tpu.vector_load %arg7[%get3A_269, %get3A_270] {strides = array<i32>} : memref<512x32xf32, #tpu.memory_space<vmem>>, vector<16xf32>,
        tpu.vector_store_idx %arg9[%iota3A_98, %add3A_268], %get3A_271 : memref<32x513xf32, #tpu.memory_space<vmem>>[vector<16xi32>, vector<16xi32>], vector<16xf32>,
        %get3A_272 = arith.index_cast %add3A_266 : i32 to index
        %get3A_273 = arith.constant 16 : index
        %get3A_274 = tpu.vector_load %arg7[%get3A_272, %get3A_273] {strides = array<i32>} : memref<512x32xf32, #tpu.memory_space<vmem>>, vector<16xf32>,
        tpu.vector_store_idx %arg9[%add3A_101, %add3A_268], %get3A_274 : memref<32x513xf32, #tpu.memory_space<vmem>>[vector<16xi32>, vector<16xi32>], vector<16xf32>,
        %add3A_275 = arith.constant 15 : i32
        %add3A_276 = arith.addi %mul3A_125, %add3A_275 : i32
        %add3A_277 = vector.broadcast %add3A_276 : i32 to vector<16xi32>
        %add3A_278 = arith.addi %broadcast_in_dim3A_103, %add3A_277 : vector<16xi32>
        %get3A_279 = arith.index_cast %add3A_276 : i32 to index
        %get3A_280 = arith.constant 0 : index
        %get3A_281 = tpu.vector_load %arg7[%get3A_279, %get3A_280] {strides = array<i32>} : memref<512x32xf32, #tpu.memory_space<vmem>>, vector<16xf32>,
        tpu.vector_store_idx %arg9[%iota3A_98, %add3A_278], %get3A_281 : memref<32x513xf32, #tpu.memory_space<vmem>>[vector<16xi32>, vector<16xi32>], vector<16xf32>,
        %get3A_282 = arith.index_cast %add3A_276 : i32 to index
        %get3A_283 = arith.constant 16 : index
        %get3A_284 = tpu.vector_load %arg7[%get3A_282, %get3A_283] {strides = array<i32>} : memref<512x32xf32, #tpu.memory_space<vmem>>, vector<16xf32>,
        tpu.vector_store_idx %arg9[%add3A_101, %add3A_278], %get3A_284 : memref<32x513xf32, #tpu.memory_space<vmem>>[vector<16xi32>, vector<16xi32>], vector<16xf32>,
      }
      %scan3A_109 = arith.constant 32 : i32
      %dma_start3A_110 = arith.constant 0 : i32
      %dma_start3A_111 = arith.constant 0 : i32
      %dma_start3A_112 = arith.constant 0 : i32
      %dma_start3A_113 = tpu.memref_slice %arg9[%dma_start3A_111, %dma_start3A_112] : memref<32x513xf32, #tpu.memory_space<vmem>> -> memref<32x512xf32, #tpu.memory_space<vmem>>
      %dma_start3A_114 = arith.constant 0 : i32
      %dma_start3A_115 = tpu.memref_slice %arg4[%add3A_45, %dma_start3A_110, %dma_start3A_114, %mul3A_2] : memref<100x1x32x16384xf32, #tpu.memory_space<hbm>> -> memref<1x1x32x512xf32, #tpu.memory_space<hbm>>
      %dma_start3A_116 = tpu.memref_squeeze %dma_start3A_115 : memref<1x1x32x512xf32, #tpu.memory_space<hbm>> -> memref<32x512xf32, #tpu.memory_space<hbm>>
      %dma_start3A_117 = arith.constant 0 : i32
      %dma_start3A_118 = tpu.memref_slice %arg4[%add3A_45, %dma_start3A_110, %dma_start3A_117, %mul3A_2] : memref<100x1x32x16384xf32, #tpu.memory_space<hbm>> -> memref<1x1x32x512xf32, #tpu.memory_space<hbm>>
      %dma_start3A_119 = tpu.memref_squeeze %dma_start3A_118 : memref<1x1x32x512xf32, #tpu.memory_space<hbm>> -> memref<32x512xf32, #tpu.memory_space<hbm>>
      %dma_start3A_120 = arith.constant 0 : i32
      %dma_start3A_121 = arith.constant 0 : i32
      %dma_start3A_122 = tpu.memref_slice %arg9[%dma_start3A_120, %dma_start3A_121] : memref<32x513xf32, #tpu.memory_space<vmem>> -> memref<32x512xf32, #tpu.memory_space<vmem>>
      tpu.enqueue_dma source(%dma_start3A_122 : memref<32x512xf32, #tpu.memory_space<vmem>>) target(%dma_start3A_119 : memref<32x512xf32, #tpu.memory_space<hbm>>) target_semaphore(%arg13 : memref<!tpu.dma_semaphore, #tpu.memory_space<semaphore_mem>>)
    }
    %scan3A_13 = arith.constant 50 : i32
    %dma_wait3A = arith.constant 98 : i32
    %dma_wait3A_14 = arith.constant 0 : i32
    %dma_wait3A_15 = arith.constant 0 : i32
    %dma_wait3A_16 = arith.constant 0 : i32
    %dma_wait3A_17 = tpu.memref_slice %arg8[%dma_wait3A_15, %dma_wait3A_16] : memref<32x513xf32, #tpu.memory_space<vmem>> -> memref<32x512xf32, #tpu.memory_space<vmem>>
    %dma_wait3A_18 = arith.constant 0 : i32
    %dma_wait3A_19 = tpu.memref_slice %arg4[%dma_wait3A, %dma_wait3A_14, %dma_wait3A_18, %mul3A_2] : memref<100x1x32x16384xf32, #tpu.memory_space<hbm>> -> memref<1x1x32x512xf32, #tpu.memory_space<hbm>>
    %dma_wait3A_20 = tpu.memref_squeeze %dma_wait3A_19 : memref<1x1x32x512xf32, #tpu.memory_space<hbm>> -> memref<32x512xf32, #tpu.memory_space<hbm>>
    %dma_wait3A_21 = arith.constant 0 : i32
    %dma_wait3A_22 = tpu.memref_slice %arg4[%dma_wait3A, %dma_wait3A_14, %dma_wait3A_21, %mul3A_2] : memref<100x1x32x16384xf32, #tpu.memory_space<hbm>> -> memref<1x1x32x512xf32, #tpu.memory_space<hbm>>
    %dma_wait3A_23 = tpu.memref_squeeze %dma_wait3A_22 : memref<1x1x32x512xf32, #tpu.memory_space<hbm>> -> memref<32x512xf32, #tpu.memory_space<hbm>>
    %dma_wait3A_24 = arith.constant 0 : i32
    %dma_wait3A_25 = arith.constant 0 : i32
    %dma_wait3A_26 = tpu.memref_slice %arg8[%dma_wait3A_24, %dma_wait3A_25] : memref<32x513xf32, #tpu.memory_space<vmem>> -> memref<32x512xf32, #tpu.memory_space<vmem>>
    tpu.wait_dma2 semaphore(%arg12 : memref<!tpu.dma_semaphore, #tpu.memory_space<semaphore_mem>>) src(%dma_wait3A_26 : memref<32x512xf32, #tpu.memory_space<vmem>>) dst(%dma_wait3A_23 : memref<32x512xf32, #tpu.memory_space<hbm>>)
    %dma_wait3A_27 = arith.constant 99 : i32
    %dma_wait3A_28 = arith.constant 0 : i32
    %dma_wait3A_29 = arith.constant 0 : i32
    %dma_wait3A_30 = arith.constant 0 : i32
    %dma_wait3A_31 = tpu.memref_slice %arg9[%dma_wait3A_29, %dma_wait3A_30] : memref<32x513xf32, #tpu.memory_space<vmem>> -> memref<32x512xf32, #tpu.memory_space<vmem>>
    %dma_wait3A_32 = arith.constant 0 : i32
    %dma_wait3A_33 = tpu.memref_slice %arg4[%dma_wait3A_27, %dma_wait3A_28, %dma_wait3A_32, %mul3A_2] : memref<100x1x32x16384xf32, #tpu.memory_space<hbm>> -> memref<1x1x32x512xf32, #tpu.memory_space<hbm>>
    %dma_wait3A_34 = tpu.memref_squeeze %dma_wait3A_33 : memref<1x1x32x512xf32, #tpu.memory_space<hbm>> -> memref<32x512xf32, #tpu.memory_space<hbm>>
    %dma_wait3A_35 = arith.constant 0 : i32
    %dma_wait3A_36 = tpu.memref_slice %arg4[%dma_wait3A_27, %dma_wait3A_28, %dma_wait3A_35, %mul3A_2] : memref<100x1x32x16384xf32, #tpu.memory_space<hbm>> -> memref<1x1x32x512xf32, #tpu.memory_space<hbm>>
    %dma_wait3A_37 = tpu.memref_squeeze %dma_wait3A_36 : memref<1x1x32x512xf32, #tpu.memory_space<hbm>> -> memref<32x512xf32, #tpu.memory_space<hbm>>
    %dma_wait3A_38 = arith.constant 0 : i32
    %dma_wait3A_39 = arith.constant 0 : i32
    %dma_wait3A_40 = tpu.memref_slice %arg9[%dma_wait3A_38, %dma_wait3A_39] : memref<32x513xf32, #tpu.memory_space<vmem>> -> memref<32x512xf32, #tpu.memory_space<vmem>>
    tpu.wait_dma2 semaphore(%arg13 : memref<!tpu.dma_semaphore, #tpu.memory_space<semaphore_mem>>) src(%dma_wait3A_40 : memref<32x512xf32, #tpu.memory_space<vmem>>) dst(%dma_wait3A_37 : memref<32x512xf32, #tpu.memory_space<hbm>>)
    return
  }
}

</mosaic_0001>

<sc_bundles>
// kernel: kernel.3.cloned.1.call-start
scs
__scs_entry_jumppad:
0x0: {  	(pc) =	sbr.rel $0x88, $3  }
0x1: {  	(tag) =	ssettag $0x0;
	lr =	simm.s32 $0x1  }
0x2: {  	[smem:$0x3F9F] =	sst lr;
	_ =	strace $0xD0000000  }
0x3: {  	_ = 	snop  }
0x4: {  	_ = 	snop  }
0x5: {  	_ = 	snop  }
0x6: {  	_ = 	snop  }
0x7: {  	_ = 	snop  }
__scs_overlays_trampoline_lowered:
0x8: {  	[smem:$0x3FAE] =	sst s0  }
0x9: {  	[smem:$0x3FAF] =	sst s1  }
0xa: {  	[smem:$0x3FB0] =	sst s2  }
0xb: {  	[smem:$0x3FB1] =	sst s3  }
0xc: {  	[smem:$0x3FB2] =	sst s4  }
0xd: {  	[smem:$0x3FB3] =	sst s5  }
0xe: {  	[smem:$0x3FB4] =	sst s6  }
0xf: {  	[smem:$0x3FB5] =	sst s7  }
0x10: {  	[smem:$0x3FB6] =	sst s8  }
0x11: {  	[smem:$0x3FB7] =	sst s9;
	s0 =	simm.s32 @!p0 $0x0  }
0x12: {  	s1 =	sld [smem:$0x3F9D];
	s0 =	simm.s32 @p0 $0x1  }
0x13: {  	[smem:$0x3FB8] =	sst s0;
	s0 =	simm.s32 @!p1 $0x0  }
0x14: {  	s2 =	sld [smem:$0x3F9C];
	s0 =	simm.s32 @p1 $0x1  }
0x15: {  	[smem:$0x3FB9] =	sst s0;
	s0 =	simm.s32 @!p2 $0x0  }
0x16: {  	s3 =	sld [smem:$0x3FDB];
	s0 =	simm.s32 @p2 $0x1  }
0x17: {  	s4 =	simm.s32 $0x1BF5;
	[smem:$0x3FBB] =	sst s0  }
0x18: {  	s0 =	sld [smem:$0x3F9E];
	_ =	swait.ge [sflag:s4], $0x0  }
0x19: {  	s7 =	sld [smem:$0x3F9F]  }
0x1a: {  	s8 =	sadd.s32 $0xFFFFE003, lr  }
0x1b: {  	s9 =	sadd.s32 $0xFFFFFEF7, lr;
	s5 =	simm.s32 $0xFFFFFFFF;
	p2 =	slt.u32 s8, $0xFFFFF086  }
0x1c: {  	p1 =	slt.u32 s9, $0xF7A;
	s5 =	simm.s32 @!p2 $0x0  }
0x1d: {  	s5 =	simm.s32 @p1 $0x1;
	p0 =	seq.s32 s7, s2  }
0x1e: {  	s7 =	smul.u32 @!p0 $0xF7A, s2;
	p2 =	seq.s32 @!p0 s5, $0x0  }
0x1f: {  	s9 =	smul.u32 $0xF7A, s1;
	s8 =	simm.s32 @!p0 $0x1BF5;
	p2 =	por !p2, p0  }
0x20: {  	[sflag:s8] =	ssyncset.s32 @!p0 $0xFFFFF086;
	s6 =	sadd.s32 @!p0 s3, s7;
	s7 =	simm.s32 @!p0 $0x108  }
0x21: {  	s3 =	sadd.s32 s3, s9;
	s6 =	sadd.s32 @!p0 $0x88, s6;
	s7 =	simm.s32 @p2 $0x1082  }
0x22: {  	[simem:s7], [sflag:s8] =	dma.local @!p0 [hbm:s6], $0xF7A  }
0x23: {  	s9 =	sor.u32 $0xD0000000, s2;
	s6 =	simm.s32 $0x108;
	_ =	swait.ge @!p0 [sflag:s8], $0x0  }
0x24: {  	s3 =	sadd.s32 $0x88, s3;
	s6 =	simm.s32 @!p1 $0x1082;
	[sflag:s4] =	ssyncset.s32 $0xFFFFF086  }
0x25: {  	[simem:s6], [sflag:s4] =	dma.local [hbm:s3], $0xF7A  }
0x26: {  	[smem:$0x3F9F] =	sst s1;
	(tag) =	ssettag s2;
	_ =	strace s9  }
0x27: {  	s1 =	sld [smem:$0x3FAF]  }
0x28: {  	s2 =	sld [smem:$0x3FB0]  }
0x29: {  	s4 =	sld [smem:$0x3FB2]  }
0x2a: {  	p0 =	seq.s32 s5, $0x0;
	s5 =	sld [smem:$0x3FB3]  }
0x2b: {  	s6 =	sld [smem:$0x3FB4]  }
0x2c: {  	s7 =	sld [smem:$0x3FB5]  }
0x2d: {  	s3 =	simm.s32 $0x108;
	s8 =	sld [smem:$0x3FB6]  }
0x2e: {  	s3 =	simm.s32 @!p0 $0x1082;
	s9 =	sld [smem:$0x3FB7]  }
0x2f: {  	lr =	sadd.s32 s0, s3;
	s0 =	sld [smem:$0x3FAE]  }
0x30: {  	s3 =	sld [smem:$0x3FB1]  }
0x31: {  	[smem:$0x3FBA] =	sst s10  }
0x32: {  	s10 =	sld [smem:$0x3FB8];
	_ =	sdelay $0x3  }
0x33: {  	p0 =	seq.s32 s10, $0x1;
	s10 =	sld [smem:$0x3FBA];
	_ =	sdelay $0x3  }
0x34: {  	[smem:$0x3FBA] =	sst s10  }
0x35: {  	s10 =	sld [smem:$0x3FB9];
	_ =	sdelay $0x3  }
0x36: {  	p1 =	seq.s32 s10, $0x1;
	s10 =	sld [smem:$0x3FBA];
	_ =	sdelay $0x3  }
0x37: {  	[smem:$0x3FBA] =	sst s10  }
0x38: {  	s10 =	sld [smem:$0x3FBB]  }
0x39: {  	_ = 	snop;
	(pc) =	sbr.ind lr, $3  }
0x3a: {  	_ = 	snop  }
0x3b: {  	_ = 	snop  }
0x3c: {  	p2 =	seq.s32 s10, $0x1;
	s10 =	sld [smem:$0x3FBA]  }
0x3d: {  	_ =	shalt  }
0x3e: {  	_ =	shalt  }
0x3f: {  	_ =	shalt  }
0x40: {  	_ =	shalt  }
0x41: {  	_ =	shalt  }
0x42: {  	_ =	shalt  }
0x43: {  	_ =	shalt  }
0x44: {  	_ =	shalt  }
0x45: {  	_ =	shalt  }
0x46: {  	_ =	shalt  }
0x47: {  	_ =	shalt  }
0x48: {  	_ =	shalt  }
0x49: {  	_ =	shalt  }
0x4a: {  	_ =	shalt  }
0x4b: {  	_ =	shalt  }
0x4c: {  	_ =	shalt  }
0x4d: {  	_ =	shalt  }
0x4e: {  	_ =	shalt  }
0x4f: {  	_ =	shalt  }
0x50: {  	_ =	shalt  }
0x51: {  	_ =	shalt  }
0x52: {  	_ =	shalt  }
0x53: {  	_ =	shalt  }
0x54: {  	_ =	shalt  }
0x55: {  	_ =	shalt  }
0x56: {  	_ =	shalt  }
0x57: {  	_ =	shalt  }
0x58: {  	_ =	shalt  }
0x59: {  	_ =	shalt  }
0x5a: {  	_ =	shalt  }
0x5b: {  	_ =	shalt  }
0x5c: {  	_ =	shalt  }
0x5d: {  	_ =	shalt  }
0x5e: {  	_ =	shalt  }
0x5f: {  	_ =	shalt  }
0x60: {  	_ =	shalt  }
0x61: {  	_ =	shalt  }
0x62: {  	_ =	shalt  }
0x63: {  	_ =	shalt  }
0x64: {  	_ =	shalt  }
0x65: {  	_ =	shalt  }
0x66: {  	_ =	shalt  }
0x67: {  	_ =	shalt  }
0x68: {  	_ =	shalt  }
0x69: {  	_ =	shalt  }
0x6a: {  	_ =	shalt  }
0x6b: {  	_ =	shalt  }
0x6c: {  	_ =	shalt  }
0x6d: {  	_ =	shalt  }
0x6e: {  	_ =	shalt  }
0x6f: {  	_ =	shalt  }
0x70: {  	_ =	shalt  }
0x71: {  	_ =	shalt  }
0x72: {  	_ =	shalt  }
0x73: {  	_ =	shalt  }
0x74: {  	_ =	shalt  }
0x75: {  	_ =	shalt  }
0x76: {  	_ =	shalt  }
0x77: {  	_ =	shalt  }
0x78: {  	_ =	shalt  }
0x79: {  	_ =	shalt  }
0x7a: {  	_ =	shalt  }
0x7b: {  	_ =	shalt  }
0x7c: {  	_ =	shalt  }
0x7d: {  	_ =	shalt  }
0x7e: {  	_ =	shalt  }
0x7f: {  	_ =	shalt  }
0x80: {  	_ =	shalt  }
0x81: {  	_ =	shalt  }
0x82: {  	_ =	shalt  }
0x83: {  	_ =	shalt  }
0x84: {  	_ =	shalt  }
0x85: {  	_ =	shalt  }
0x86: {  	_ =	shalt  }
0x87: {  	_ =	shalt  }
.Lfunc_end0:
.L_simem_size_0:
called_computation_lowered:
.L_overlay_start_0:
0x88: {  	s2 =	sld [smem:$0x3FD9]  }
0x89: {  	s3 =	sld [smem:$0x3FFE];
	_ =	sdelay $0x1  }
0x8a: {  	s1 =	srdreg.scid  }
0x8b: {  	s0 =	sand.u32 $0x1, s1  }
0x8c: {  	s17 =	sshll.u32 s0, $0xA;
	s2 =	sadd.s32 s3, s2  }
0x8d: {  	s2 =	sadd.s32 s2, s17  }
0x8e: {  	[smem:$0x3FC6] =	sst s2  }
0x8f: {  	_ = 	snop  }
0x90: {  	s2 =	sld [smem:$0x3FD0];
	(tm) =	ssettm $0x1  }
0x91: {  	s18 =	sld [smem:$0x3FFB];
	_ =	sdelay $0x3  }
0x92: {  	_ =	strace s18  }
0x93: {  	s3 =	sld [smem:$0x3FFC];
	_ =	sdelay $0x3  }
0x94: {  	_ =	strace s3  }
0x95: {  	s3 =	sld [smem:$0x3FFD];
	_ =	sdelay $0x3  }
0x96: {  	_ =	strace s3  }
0x97: {  	_ =	strace $0x8FFFFFFF  }
0x98: {  	s19 =	sld [smem:$0x3FDB];
	_ =	sdelay $0x1  }
0x99: {  	s4 =	simm.s32 $_scs_section_size  }
0x9a: {  	s5 =	simm.s32 $_size__tile_overlayer_lowered;
	s6 =	simm.s32 $_tile_overlayer_lowered  }
0x9b: {  	s22 =	simm.s32 $0x1BFF;
	s21 =	sshll.u32 s6, $0x1;
	s3 =	sadd.s32 s4, s19  }
0x9c: {  	s7 =	simm.s32 $0x0;
	s20 =	sshll.u32 s5, $0x1;
	s5 =	sadd.s32 s21, s3  }
0x9d: {  	[timem:s7], [sflag:s22] =	dma.local [hbm:s5], s20  }
0x9e: {  	_ =	swait.ge [sflag:s22], s20  }
0x9f: {  	s4 =	ssub.s32 $0x0, s20;
	[sflag:s22] =	ssyncset.done $0x0  }
0xa0: {  	[sflag:s22] =	ssyncadd.s32 s4;
	_ =	sdelay $0x1  }
0xa1: {  	s23 =	simm.s32 $0x1B8B  }
0xa2: {  	_ =	swait.ge [sflag:s23], $0x1  }
0xa3: {  	[sflag:s23] =	ssyncset.done $0x0  }
0xa4: {  	s25 =	simm.s32 $0x1B8E;
	s24 =	sld [smem:$0x3FFE];
	[sflag:s23] =	ssyncadd.s32 $0xFFFFFFFF  }
0xa5: {  	s26 =	simm.s32 $execute0_lowered;
	[smem:$0x3FD2] =	sst s25  }
0xa6: {  	s5 =	sshll.u32 s26, $0x1;
	_ =	strace $0x80000046;
	[dreg:$0x1] =	wrdreg $0xFFFFFFFF  }
0xa7: {  	s28 =	simm.s32 $_size_execute0_lowered;
	s3 =	sadd.s32 s3, s5;
	[dreg:$0x0] =	wrdreg $0x0  }
0xa8: {  	s5 =	sshll.u32 s28, $0x1;
	[dreg:$0x2] =	wrdreg s3  }
0xa9: {  	[dreg:$0x3] =	wrdreg s5  }
0xaa: {  	[dreg:$0x4] =	wrdreg $0xC0  }
0xab: {  	_ =	task [dreg:s7], $0x5FFFF  }
0xac: {  	[dreg:$0x1] =	wrdreg $0xFFFFFFFF  }
0xad: {  	[dreg:$0x0] =	wrdreg $0x60  }
0xae: {  	[dreg:$0x2] =	wrdreg s2  }
0xaf: {  	[dreg:$0x3] =	wrdreg s24  }
0xb0: {  	[dreg:$0x4] =	wrdreg $0x9  }
0xb1: {  	_ =	task.clear_ibuf [dreg:s7], $0x5FFFF;
	_ =	strace $0x90000046  }
0xb2: {  	s29 =	simm.s32 $0x9;
	_ =	strace $0x80000048  }
0xb3: {  	_ =	swait.ge [sflag:s29], $0x1  }
0xb4: {  	[sflag:s29] =	ssyncadd.s32 $0xFFFFFFFF  }
0xb5: {  	_ =	strace $0x90000048  }
0xb6: {  	_ =	sfence  }
0xb7: {  	s30 =	sld [smem:$0x0];
	_ =	sdelay $0x2  }
0xb8: {  	s31 =	sshll.u32 s1, $0xD;
	s1 =	sshrl.u32 s1, $0x2  }
0xb9: {  	s3 =	sand.u32 $0x4000, s31;
	s1 =	sadd.s32 s1, s30  }
0xba: {  	s0 =	sor.u32 s3, s0;
	s1 =	sshll.u32 s1, $0x11  }
0xbb: {  	s0 =	sor.u32 s1, s0  }
0xbc: {  	s0 =	sadd.s32 $0x8F2B, s0  }
0xbd: {  	[sflag:s0] =	ssyncadd.remote.s32 $0x1  }
0xbe: {  	_ =	sfence.sel $0xFFFF  }
0xbf: {  	[dreg:$0x0] =	wrdreg $0xFFFFFFFF;
	(pc) =	sbr.abs _section_cstart, $3  }
0xc0: {  	[dreg:$0x1] =	wrdreg $0xFFFFFFFF  }
0xc1: {  	_ =	task.clear_ibuf [dreg:s7], $0x2FFFF;
	_ =	strace $0x9FFFFFFF  }
0xc2: {  	(tm) =	ssettm $0x7FFFFFFF  }
0xc3: {  	_ =	shalt  }
tec
execute0_lowered:
.L_overlay_start_1:
0x0: {  	(tag) =	ssettag $0x1  }
0x1: {  	s2 =	rddreg [dreg:$0x0];
	s0 =	srdreg.scid  }
0x2: {  	s5 =	rddreg [dreg:$0x1];
	s1 =	stileid.u32;
	s3 =	simm.s32 $0x0  }
0x3: {  	s9 =	simm.s32 $0x4000;
	s10 =	simm.s32 $0x5;
	s11 =	simm.s32 $0xC800  }
0x4: {  	v0 =	vlaneseq.u32;
	s12 =	simm.s32 $0x10800;
	s13 =	simm.s32 $0x1;
	s14 =	simm.s32 $0x14800  }
0x5: {  	v1 =	vimm.s32 $0x0;
	vm0 =	vcmask $0x300;
	s15 =	simm.s32 $0x2;
	s16 =	simm.s32 $0x4;
	s17 =	simm.s32 $0x18900;
	v0 =	vmul.u32 $0x208, v0  }
0x6: {  	s18 =	simm.s32 $0x3;
	s19 =	simm.s32 $0x0;
	s6 =	sand.u32 $0x1, s0;
	v1 =	vsel vm0, $0x3, v1  }
0x7: {  	s0 =	rddreg [dreg:$0x2];
	s4 =	sshll.u32 s1, $0xA;
	s7 =	sshll.u32 s6, $0x9;
	v2 =	vadd.s32 $0x2080, v0;
	v3 =	vor.u32 $0x1, v0;
	v4 =	vadd.s32 $0x2081, v0  }
0x8: {  	[smem:$0x7FF] =	sst s3;
	s6 =	ssub.s32 $0x2, s6;
	s4 =	sor.u32 s7, s4;
	v5 =	vor.u32 $0x2, v0;
	v6 =	vadd.s32 $0x2082, v0;
	v7 =	vor.u32 $0x3, v0  }
0x9: {  	_ =	strace $0x80000047;
	s8 =	sshrl.u32 s6, $0x1;
	v8 =	vadd.s32 $0x2083, v0;
	v9 =	vor.u32 $0x4, v0;
	v10 =	vadd.s32 $0x2084, v0;
	s7 =	sshrl.u32 s4, $0x3  }
0xa: {  	v11 =	vor.u32 $0x5, v0;
	v12 =	vadd.s32 $0x2085, v0;
	v13 =	vor.u32 $0x6, v0;
	s8 =	ssub.s32 s6, s8;
	s7 =	sadd.s32 s7, s5;
	s5 =	sadd.s32 $0x32600, s5  }
0xb: {  	v14 =	vadd.s32 $0x2086, v0;
	v15 =	vor.u32 $0x7, v0;
	v16 =	vadd.s32 $0x2087, v0;
	s6 =	sadd.s32 $0x600, s7;
	s7 =	smax.u32 s8, $0x1;
	s8 =	simm.s32 $0x200  }
.LBB2_1:
0xc: {  	[tilespmem:s3], [sflag:$0x5] =	stream.strided.gather [hbm4b:s6+s8], $0xC800, s9, s8, $0x38;
	[tilespmem:$0x1CA00] =	vst v63  }
0xd: {  	_ =	swait.ge [sflag:s10], $0xC800  }
0xe: {  	[sflag:s10] =	ssyncset.done $0x0  }
0xf: {  	s20 =	simm.s32 $0x0;
	[sflag:s10] =	ssyncadd.s32 $0xFFFF3800  }
0x10: {  	[tilespmem:s11], [sflag:$0x1] =	stream.indirect.gather [hbm4b:s2+s8], $0x20, s3, s8, $0xb8;
	[tilespmem:$0x1CA00] =	vst v63  }
.LBB2_2:
0x11: {  	s21 =	sshllo.u32 s20, $0x1  }
0x12: {  	s22 =	sshll.u32 s21, $0x9  }
0x13: {  	s22 =	sand.u32 $0x3FFFFE00, s22  }
0x14: {  	[tilespmem:s12], [sflag:$0x2] =	stream.indirect.gather [hbm4b:s2+s8], $0x20, s22, s8, $0xb8;
	[tilespmem:$0x1CA00] =	vst v63  }
0x15: {  	s23 =	simm.s32 $0x0;
	_ =	swait.ge [sflag:s13], $0x4000  }
0x16: {  	p0 =	seq.s32 s20, $0x0;
	v17 =	vmov s23;
	[sflag:s13] =	ssyncset.done $0x0  }
0x17: {  	v17 =	vshrl.u32 v17, $0x3;
	s22 =	simm.s32 @!p0 $0x3;
	[sflag:s13] =	ssyncadd.s32 $0xFFFFC000  }
0x18: {  	v17 =	vshll.u32 v17, v1;
	_ =	swait.ge @!p0 [sflag:s22], $0x4000  }
0x19: {  	v17 =	vbroadcast v17, $0x0;
	[sflag:s22] =	ssyncset.done @!p0 $0x0  }
0x1a: {  	[sflag:s22] =	ssyncadd.s32 @!p0 $0xFFFFC000;
	s22 =	simm.s32 $0xC900  }
0x1b: {  	v19 =	vadd.s32 v0, v17;
	v18 =	vld [tilespmem:s22+$0xFFFFFF00];
	_ =	sdelay $0x4  }
0x1c: {  	[tilespmem:v19+s14+$0x0] =	vst.idx.msk $0xffff, v18  }
0x1d: {  	s23 =	simm.s32 $0x1;
	v17 =	vadd.s32 v2, v17;
	v18 =	vld [tilespmem:s22+$0xFFFFFF10]  }
0x1e: {  	v19 =	vmov s23  }
0x1f: {  	v19 =	vshrl.u32 v19, $0x3  }
0x20: {  	v19 =	vshll.u32 v19, v1  }
0x21: {  	v19 =	vbroadcast v19, $0x0  }
0x22: {  	[tilespmem:v17+s14+$0x0] =	vst.idx.msk $0xffff, v18  }
0x23: {  	v18 =	vadd.s32 v3, v19;
	v17 =	vld [tilespmem:s22+$0xFFFFFF20];
	_ =	sdelay $0x4  }
0x24: {  	[tilespmem:v18+s14+$0x0] =	vst.idx.msk $0xffff, v17  }
0x25: {  	s24 =	simm.s32 $0x2;
	v18 =	vadd.s32 v4, v19;
	v17 =	vld [tilespmem:s22+$0xFFFFFF30]  }
0x26: {  	v19 =	vmov s24  }
0x27: {  	v19 =	vshrl.u32 v19, $0x3  }
0x28: {  	v19 =	vshll.u32 v19, v1  }
0x29: {  	v19 =	vbroadcast v19, $0x0  }
0x2a: {  	[tilespmem:v18+s14+$0x0] =	vst.idx.msk $0xffff, v17  }
0x2b: {  	v18 =	vadd.s32 v5, v19;
	v17 =	vld [tilespmem:s22+$0xFFFFFF40];
	_ =	sdelay $0x4  }
0x2c: {  	[tilespmem:v18+s14+$0x0] =	vst.idx.msk $0xffff, v17  }
0x2d: {  	s25 =	simm.s32 $0x3;
	v18 =	vadd.s32 v6, v19;
	v17 =	vld [tilespmem:s22+$0xFFFFFF50]  }
0x2e: {  	v19 =	vmov s25  }
0x2f: {  	v19 =	vshrl.u32 v19, $0x3  }
0x30: {  	v19 =	vshll.u32 v19, v1  }
0x31: {  	v19 =	vbroadcast v19, $0x0  }
0x32: {  	[tilespmem:v18+s14+$0x0] =	vst.idx.msk $0xffff, v17  }
0x33: {  	v18 =	vadd.s32 v7, v19;
	v17 =	vld [tilespmem:s22+$0xFFFFFF60];
	_ =	sdelay $0x4  }
0x34: {  	[tilespmem:v18+s14+$0x0] =	vst.idx.msk $0xffff, v17  }
0x35: {  	s26 =	simm.s32 $0x4;
	v18 =	vadd.s32 v8, v19;
	v17 =	vld [tilespmem:s22+$0xFFFFFF70]  }
0x36: {  	v19 =	vmov s26  }
0x37: {  	v19 =	vshrl.u32 v19, $0x3  }
0x38: {  	v19 =	vshll.u32 v19, v1  }
0x39: {  	v19 =	vbroadcast v19, $0x0  }
0x3a: {  	[tilespmem:v18+s14+$0x0] =	vst.idx.msk $0xffff, v17  }
0x3b: {  	v18 =	vadd.s32 v9, v19;
	v17 =	vld [tilespmem:s22+$0xFFFFFF80];
	_ =	sdelay $0x4  }
0x3c: {  	[tilespmem:v18+s14+$0x0] =	vst.idx.msk $0xffff, v17  }
0x3d: {  	s28 =	simm.s32 $0x5;
	v18 =	vadd.s32 v10, v19;
	v17 =	vld [tilespmem:s22+$0xFFFFFF90]  }
0x3e: {  	v19 =	vmov s28  }
0x3f: {  	v19 =	vshrl.u32 v19, $0x3  }
0x40: {  	v19 =	vshll.u32 v19, v1  }
0x41: {  	v19 =	vbroadcast v19, $0x0  }
0x42: {  	[tilespmem:v18+s14+$0x0] =	vst.idx.msk $0xffff, v17  }
0x43: {  	v18 =	vadd.s32 v11, v19;
	v17 =	vld [tilespmem:s22+$0xFFFFFFA0];
	_ =	sdelay $0x4  }
0x44: {  	[tilespmem:v18+s14+$0x0] =	vst.idx.msk $0xffff, v17  }
0x45: {  	s29 =	simm.s32 $0x6;
	v18 =	vadd.s32 v12, v19;
	v17 =	vld [tilespmem:s22+$0xFFFFFFB0]  }
0x46: {  	v19 =	vmov s29  }
0x47: {  	v19 =	vshrl.u32 v19, $0x3  }
0x48: {  	v19 =	vshll.u32 v19, v1  }
0x49: {  	v19 =	vbroadcast v19, $0x0  }
0x4a: {  	[tilespmem:v18+s14+$0x0] =	vst.idx.msk $0xffff, v17  }
0x4b: {  	v18 =	vadd.s32 v13, v19;
	v17 =	vld [tilespmem:s22+$0xFFFFFFC0];
	_ =	sdelay $0x4  }
0x4c: {  	[tilespmem:v18+s14+$0x0] =	vst.idx.msk $0xffff, v17  }
0x4d: {  	s30 =	simm.s32 $0x7;
	v18 =	vadd.s32 v14, v19;
	v17 =	vld [tilespmem:s22+$0xFFFFFFD0]  }
0x4e: {  	v19 =	vmov s30  }
0x4f: {  	v19 =	vshrl.u32 v19, $0x3  }
0x50: {  	v19 =	vshll.u32 v19, v1  }
0x51: {  	v19 =	vbroadcast v19, $0x0  }
0x52: {  	[tilespmem:v18+s14+$0x0] =	vst.idx.msk $0xffff, v17  }
0x53: {  	v18 =	vadd.s32 v15, v19;
	v17 =	vld [tilespmem:s22+$0xFFFFFFE0];
	_ =	sdelay $0x4  }
0x54: {  	[tilespmem:v18+s14+$0x0] =	vst.idx.msk $0xffff, v17  }
0x55: {  	s31 =	simm.s32 $0x8;
	v18 =	vadd.s32 v16, v19;
	v17 =	vld [tilespmem:s22+$0xFFFFFFF0]  }
0x56: {  	v19 =	vmov s31  }
0x57: {  	v19 =	vshrl.u32 v19, $0x3  }
0x58: {  	v19 =	vshll.u32 v19, v1  }
0x59: {  	v19 =	vbroadcast v19, $0x0  }
0x5a: {  	[tilespmem:v18+s14+$0x0] =	vst.idx.msk $0xffff, v17  }
0x5b: {  	v18 =	vadd.s32 v0, v19;
	v17 =	vld [tilespmem:s22+$0x0];
	_ =	sdelay $0x4  }
0x5c: {  	[tilespmem:v18+s14+$0x0] =	vst.idx.msk $0xffff, v17  }
0x5d: {  	s24 =	simm.s32 $0x9;
	v18 =	vadd.s32 v2, v19;
	v17 =	vld [tilespmem:s22+$0x10]  }
0x5e: {  	v19 =	vmov s24  }
0x5f: {  	v19 =	vshrl.u32 v19, $0x3  }
0x60: {  	v19 =	vshll.u32 v19, v1  }
0x61: {  	v19 =	vbroadcast v19, $0x0  }
0x62: {  	[tilespmem:v18+s14+$0x0] =	vst.idx.msk $0xffff, v17  }
0x63: {  	v18 =	vadd.s32 v3, v19;
	v17 =	vld [tilespmem:s22+$0x20];
	_ =	sdelay $0x4  }
0x64: {  	[tilespmem:v18+s14+$0x0] =	vst.idx.msk $0xffff, v17  }
0x65: {  	s25 =	simm.s32 $0xA;
	v18 =	vadd.s32 v4, v19;
	v17 =	vld [tilespmem:s22+$0x30]  }
0x66: {  	v19 =	vmov s25  }
0x67: {  	v19 =	vshrl.u32 v19, $0x3  }
0x68: {  	v19 =	vshll.u32 v19, v1  }
0x69: {  	v19 =	vbroadcast v19, $0x0  }
0x6a: {  	[tilespmem:v18+s14+$0x0] =	vst.idx.msk $0xffff, v17  }
0x6b: {  	v18 =	vadd.s32 v5, v19;
	v17 =	vld [tilespmem:s22+$0x40];
	_ =	sdelay $0x4  }
0x6c: {  	[tilespmem:v18+s14+$0x0] =	vst.idx.msk $0xffff, v17  }
0x6d: {  	s26 =	simm.s32 $0xB;
	v18 =	vadd.s32 v6, v19;
	v17 =	vld [tilespmem:s22+$0x50]  }
0x6e: {  	v19 =	vmov s26  }
0x6f: {  	v19 =	vshrl.u32 v19, $0x3  }
0x70: {  	v19 =	vshll.u32 v19, v1  }
0x71: {  	v19 =	vbroadcast v19, $0x0  }
0x72: {  	[tilespmem:v18+s14+$0x0] =	vst.idx.msk $0xffff, v17  }
0x73: {  	v18 =	vadd.s32 v7, v19;
	v17 =	vld [tilespmem:s22+$0x60];
	_ =	sdelay $0x4  }
0x74: {  	[tilespmem:v18+s14+$0x0] =	vst.idx.msk $0xffff, v17  }
0x75: {  	s28 =	simm.s32 $0xC;
	v18 =	vadd.s32 v8, v19;
	v17 =	vld [tilespmem:s22+$0x70]  }
0x76: {  	v19 =	vmov s28  }
0x77: {  	v19 =	vshrl.u32 v19, $0x3  }
0x78: {  	v19 =	vshll.u32 v19, v1  }
0x79: {  	v19 =	vbroadcast v19, $0x0  }
0x7a: {  	[tilespmem:v18+s14+$0x0] =	vst.idx.msk $0xffff, v17  }
0x7b: {  	v18 =	vadd.s32 v9, v19;
	v17 =	vld [tilespmem:s22+$0x80];
	_ =	sdelay $0x4  }
0x7c: {  	[tilespmem:v18+s14+$0x0] =	vst.idx.msk $0xffff, v17  }
0x7d: {  	s29 =	simm.s32 $0xD;
	v18 =	vadd.s32 v10, v19;
	v17 =	vld [tilespmem:s22+$0x90]  }
0x7e: {  	v19 =	vmov s29  }
0x7f: {  	v19 =	vshrl.u32 v19, $0x3  }
0x80: {  	v19 =	vshll.u32 v19, v1  }
0x81: {  	v19 =	vbroadcast v19, $0x0  }
0x82: {  	[tilespmem:v18+s14+$0x0] =	vst.idx.msk $0xffff, v17  }
0x83: {  	v18 =	vadd.s32 v11, v19;
	v17 =	vld [tilespmem:s22+$0xA0];
	_ =	sdelay $0x4  }
0x84: {  	[tilespmem:v18+s14+$0x0] =	vst.idx.msk $0xffff, v17  }
0x85: {  	s30 =	simm.s32 $0xE;
	v18 =	vadd.s32 v12, v19;
	v17 =	vld [tilespmem:s22+$0xB0]  }
0x86: {  	v19 =	vmov s30  }
0x87: {  	v19 =	vshrl.u32 v19, $0x3  }
0x88: {  	v19 =	vshll.u32 v19, v1  }
0x89: {  	v19 =	vbroadcast v19, $0x0  }
0x8a: {  	[tilespmem:v18+s14+$0x0] =	vst.idx.msk $0xffff, v17  }
0x8b: {  	v18 =	vadd.s32 v13, v19;
	v17 =	vld [tilespmem:s22+$0xC0];
	_ =	sdelay $0x4  }
0x8c: {  	[tilespmem:v18+s14+$0x0] =	vst.idx.msk $0xffff, v17  }
0x8d: {  	s31 =	simm.s32 $0xF;
	v18 =	vadd.s32 v14, v19;
	v17 =	vld [tilespmem:s22+$0xD0]  }
0x8e: {  	v19 =	vmov s31  }
0x8f: {  	v19 =	vshrl.u32 v19, $0x3  }
0x90: {  	v19 =	vshll.u32 v19, v1  }
0x91: {  	v19 =	vbroadcast v19, $0x0  }
0x92: {  	[tilespmem:v18+s14+$0x0] =	vst.idx.msk $0xffff, v17  }
0x93: {  	v18 =	vadd.s32 v15, v19;
	v17 =	vld [tilespmem:s22+$0xE0];
	_ =	sdelay $0x4  }
0x94: {  	[tilespmem:v18+s14+$0x0] =	vst.idx.msk $0xffff, v17  }
0x95: {  	s23 =	simm.s32 $0x1F;
	s24 =	simm.s32 $0x2F;
	s25 =	simm.s32 $0x10;
	v18 =	vadd.s32 v16, v19;
	v17 =	vld [tilespmem:s22+$0xF0]  }
.LBB2_3:
0x96: {  	p1 =	sne.s32 s24, $0x1FF;
	v19 =	vmov s25  }
0x97: {  	v19 =	vshrl.u32 v19, $0x3  }
0x98: {  	v19 =	vshll.u32 v19, v1  }
0x99: {  	v19 =	vbroadcast v19, $0x0  }
0x9a: {  	s22 =	sadd.s32 $0x200, s22;
	[tilespmem:v18+s14+$0x0] =	vst.idx.msk $0xffff, v17  }
0x9b: {  	v17 =	vld [tilespmem:s22+$0xFFFFFF00];
	v18 =	vadd.s32 v0, v19;
	_ =	sdelay $0x4  }
0x9c: {  	[tilespmem:v18+s14+$0x0] =	vst.idx.msk $0xffff, v17  }
0x9d: {  	s25 =	sadd.s32 $0xFFFFFFF2, s23;
	v18 =	vadd.s32 v2, v19;
	v17 =	vld [tilespmem:s22+$0xFFFFFF10]  }
0x9e: {  	v19 =	vmov s25  }
0x9f: {  	v19 =	vshrl.u32 v19, $0x3  }
0xa0: {  	v19 =	vshll.u32 v19, v1  }
0xa1: {  	v19 =	vbroadcast v19, $0x0  }
0xa2: {  	[tilespmem:v18+s14+$0x0] =	vst.idx.msk $0xffff, v17  }
0xa3: {  	v18 =	vadd.s32 v3, v19;
	v17 =	vld [tilespmem:s22+$0xFFFFFF20];
	_ =	sdelay $0x4  }
0xa4: {  	[tilespmem:v18+s14+$0x0] =	vst.idx.msk $0xffff, v17  }
0xa5: {  	s25 =	sadd.s32 $0xFFFFFFF3, s23;
	v18 =	vadd.s32 v4, v19;
	v17 =	vld [tilespmem:s22+$0xFFFFFF30]  }
0xa6: {  	v19 =	vmov s25  }
0xa7: {  	v19 =	vshrl.u32 v19, $0x3  }
0xa8: {  	v19 =	vshll.u32 v19, v1  }
0xa9: {  	v19 =	vbroadcast v19, $0x0  }
0xaa: {  	[tilespmem:v18+s14+$0x0] =	vst.idx.msk $0xffff, v17  }
0xab: {  	v18 =	vadd.s32 v5, v19;
	v17 =	vld [tilespmem:s22+$0xFFFFFF40];
	_ =	sdelay $0x4  }
0xac: {  	[tilespmem:v18+s14+$0x0] =	vst.idx.msk $0xffff, v17  }
0xad: {  	s25 =	sadd.s32 $0xFFFFFFF4, s23;
	v18 =	vadd.s32 v6, v19;
	v17 =	vld [tilespmem:s22+$0xFFFFFF50]  }
0xae: {  	v19 =	vmov s25  }
0xaf: {  	v19 =	vshrl.u32 v19, $0x3  }
0xb0: {  	v19 =	vshll.u32 v19, v1  }
0xb1: {  	v19 =	vbroadcast v19, $0x0  }
0xb2: {  	[tilespmem:v18+s14+$0x0] =	vst.idx.msk $0xffff, v17  }
0xb3: {  	v18 =	vadd.s32 v7, v19;
	v17 =	vld [tilespmem:s22+$0xFFFFFF60];
	_ =	sdelay $0x4  }
0xb4: {  	[tilespmem:v18+s14+$0x0] =	vst.idx.msk $0xffff, v17  }
0xb5: {  	s25 =	sadd.s32 $0xFFFFFFF5, s23;
	v18 =	vadd.s32 v8, v19;
	v17 =	vld [tilespmem:s22+$0xFFFFFF70]  }
0xb6: {  	v19 =	vmov s25  }
0xb7: {  	v19 =	vshrl.u32 v19, $0x3  }
0xb8: {  	v19 =	vshll.u32 v19, v1  }
0xb9: {  	v19 =	vbroadcast v19, $0x0  }
0xba: {  	[tilespmem:v18+s14+$0x0] =	vst.idx.msk $0xffff, v17  }
0xbb: {  	v18 =	vadd.s32 v9, v19;
	v17 =	vld [tilespmem:s22+$0xFFFFFF80];
	_ =	sdelay $0x4  }
0xbc: {  	[tilespmem:v18+s14+$0x0] =	vst.idx.msk $0xffff, v17  }
0xbd: {  	s25 =	sadd.s32 $0xFFFFFFF6, s23;
	v18 =	vadd.s32 v10, v19;
	v17 =	vld [tilespmem:s22+$0xFFFFFF90]  }
0xbe: {  	v19 =	vmov s25  }
0xbf: {  	v19 =	vshrl.u32 v19, $0x3  }
0xc0: {  	v19 =	vshll.u32 v19, v1  }
0xc1: {  	v19 =	vbroadcast v19, $0x0  }
0xc2: {  	[tilespmem:v18+s14+$0x0] =	vst.idx.msk $0xffff, v17  }
0xc3: {  	v18 =	vadd.s32 v11, v19;
	v17 =	vld [tilespmem:s22+$0xFFFFFFA0];
	_ =	sdelay $0x4  }
0xc4: {  	[tilespmem:v18+s14+$0x0] =	vst.idx.msk $0xffff, v17  }
0xc5: {  	s25 =	sadd.s32 $0xFFFFFFF7, s23;
	v18 =	vadd.s32 v12, v19;
	v17 =	vld [tilespmem:s22+$0xFFFFFFB0]  }
0xc6: {  	v19 =	vmov s25  }
0xc7: {  	v19 =	vshrl.u32 v19, $0x3  }
0xc8: {  	v19 =	vshll.u32 v19, v1  }
0xc9: {  	v19 =	vbroadcast v19, $0x0  }
0xca: {  	[tilespmem:v18+s14+$0x0] =	vst.idx.msk $0xffff, v17  }
0xcb: {  	v18 =	vadd.s32 v13, v19;
	v17 =	vld [tilespmem:s22+$0xFFFFFFC0];
	_ =	sdelay $0x4  }
0xcc: {  	[tilespmem:v18+s14+$0x0] =	vst.idx.msk $0xffff, v17  }
0xcd: {  	s25 =	sadd.s32 $0xFFFFFFF8, s23;
	v18 =	vadd.s32 v14, v19;
	v17 =	vld [tilespmem:s22+$0xFFFFFFD0]  }
0xce: {  	v19 =	vmov s25  }
0xcf: {  	v19 =	vshrl.u32 v19, $0x3  }
0xd0: {  	v19 =	vshll.u32 v19, v1  }
0xd1: {  	v19 =	vbroadcast v19, $0x0  }
0xd2: {  	[tilespmem:v18+s14+$0x0] =	vst.idx.msk $0xffff, v17  }
0xd3: {  	v18 =	vadd.s32 v15, v19;
	v17 =	vld [tilespmem:s22+$0xFFFFFFE0];
	_ =	sdelay $0x4  }
0xd4: {  	[tilespmem:v18+s14+$0x0] =	vst.idx.msk $0xffff, v17  }
0xd5: {  	s25 =	sadd.s32 $0xFFFFFFF9, s23;
	v18 =	vadd.s32 v16, v19;
	v17 =	vld [tilespmem:s22+$0xFFFFFFF0]  }
0xd6: {  	v19 =	vmov s25  }
0xd7: {  	v19 =	vshrl.u32 v19, $0x3  }
0xd8: {  	v19 =	vshll.u32 v19, v1  }
0xd9: {  	v19 =	vbroadcast v19, $0x0  }
0xda: {  	[tilespmem:v18+s14+$0x0] =	vst.idx.msk $0xffff, v17  }
0xdb: {  	v18 =	vadd.s32 v0, v19;
	v17 =	vld [tilespmem:s22+$0x0];
	_ =	sdelay $0x4  }
0xdc: {  	[tilespmem:v18+s14+$0x0] =	vst.idx.msk $0xffff, v17  }
0xdd: {  	s25 =	sadd.s32 $0xFFFFFFFA, s23;
	v18 =	vadd.s32 v2, v19;
	v17 =	vld [tilespmem:s22+$0x10]  }
0xde: {  	v19 =	vmov s25  }
0xdf: {  	v19 =	vshrl.u32 v19, $0x3  }
0xe0: {  	v19 =	vshll.u32 v19, v1  }
0xe1: {  	v19 =	vbroadcast v19, $0x0  }
0xe2: {  	[tilespmem:v18+s14+$0x0] =	vst.idx.msk $0xffff, v17  }
0xe3: {  	v18 =	vadd.s32 v3, v19;
	v17 =	vld [tilespmem:s22+$0x20];
	_ =	sdelay $0x4  }
0xe4: {  	[tilespmem:v18+s14+$0x0] =	vst.idx.msk $0xffff, v17  }
0xe5: {  	s25 =	sadd.s32 $0xFFFFFFFB, s23;
	v18 =	vadd.s32 v4, v19;
	v17 =	vld [tilespmem:s22+$0x30]  }
0xe6: {  	v19 =	vmov s25  }
0xe7: {  	v19 =	vshrl.u32 v19, $0x3  }
0xe8: {  	v19 =	vshll.u32 v19, v1  }
0xe9: {  	v19 =	vbroadcast v19, $0x0  }
0xea: {  	[tilespmem:v18+s14+$0x0] =	vst.idx.msk $0xffff, v17  }
0xeb: {  	v18 =	vadd.s32 v5, v19;
	v17 =	vld [tilespmem:s22+$0x40];
	_ =	sdelay $0x4  }
0xec: {  	[tilespmem:v18+s14+$0x0] =	vst.idx.msk $0xffff, v17  }
0xed: {  	s25 =	sadd.s32 $0xFFFFFFFC, s23;
	v18 =	vadd.s32 v6, v19;
	v17 =	vld [tilespmem:s22+$0x50]  }
0xee: {  	v19 =	vmov s25  }
0xef: {  	v19 =	vshrl.u32 v19, $0x3  }
0xf0: {  	v19 =	vshll.u32 v19, v1  }
0xf1: {  	v19 =	vbroadcast v19, $0x0  }
0xf2: {  	[tilespmem:v18+s14+$0x0] =	vst.idx.msk $0xffff, v17  }
0xf3: {  	v18 =	vadd.s32 v7, v19;
	v17 =	vld [tilespmem:s22+$0x60];
	_ =	sdelay $0x4  }
0xf4: {  	[tilespmem:v18+s14+$0x0] =	vst.idx.msk $0xffff, v17  }
0xf5: {  	s25 =	sadd.s32 $0xFFFFFFFD, s23;
	v18 =	vadd.s32 v8, v19;
	v17 =	vld [tilespmem:s22+$0x70]  }
0xf6: {  	v19 =	vmov s25  }
0xf7: {  	v19 =	vshrl.u32 v19, $0x3  }
0xf8: {  	v19 =	vshll.u32 v19, v1  }
0xf9: {  	v19 =	vbroadcast v19, $0x0  }
0xfa: {  	[tilespmem:v18+s14+$0x0] =	vst.idx.msk $0xffff, v17  }
0xfb: {  	v18 =	vadd.s32 v9, v19;
	v17 =	vld [tilespmem:s22+$0x80];
	_ =	sdelay $0x4  }
0xfc: {  	[tilespmem:v18+s14+$0x0] =	vst.idx.msk $0xffff, v17  }
0xfd: {  	s25 =	sadd.s32 $0xFFFFFFFE, s23;
	v18 =	vadd.s32 v10, v19;
	v17 =	vld [tilespmem:s22+$0x90]  }
0xfe: {  	v19 =	vmov s25  }
0xff: {  	v19 =	vshrl.u32 v19, $0x3  }
0x100: {  	v19 =	vshll.u32 v19, v1  }
0x101: {  	v19 =	vbroadcast v19, $0x0  }
0x102: {  	[tilespmem:v18+s14+$0x0] =	vst.idx.msk $0xffff, v17  }
0x103: {  	v18 =	vadd.s32 v11, v19;
	v17 =	vld [tilespmem:s22+$0xA0];
	_ =	sdelay $0x4  }
0x104: {  	[tilespmem:v18+s14+$0x0] =	vst.idx.msk $0xffff, v17  }
0x105: {  	s25 =	sadd.s32 $0xFFFFFFFF, s23;
	v18 =	vadd.s32 v12, v19;
	v17 =	vld [tilespmem:s22+$0xB0]  }
0x106: {  	v19 =	vmov s25  }
0x107: {  	v19 =	vshrl.u32 v19, $0x3  }
0x108: {  	v19 =	vshll.u32 v19, v1  }
0x109: {  	v19 =	vbroadcast v19, $0x0  }
0x10a: {  	[tilespmem:v18+s14+$0x0] =	vst.idx.msk $0xffff, v17  }
0x10b: {  	v18 =	vadd.s32 v13, v19;
	v17 =	vld [tilespmem:s22+$0xC0];
	_ =	sdelay $0x4  }
0x10c: {  	[tilespmem:v18+s14+$0x0] =	vst.idx.msk $0xffff, v17  }
0x10d: {  	v18 =	vadd.s32 v14, v19;
	v17 =	vld [tilespmem:s22+$0xD0]  }
0x10e: {  	v19 =	vmov s23;
	s23 =	smov.u32 s24  }
0x10f: {  	v19 =	vshrl.u32 v19, $0x3  }
0x110: {  	v19 =	vshll.u32 v19, v1  }
0x111: {  	v19 =	vbroadcast v19, $0x0  }
0x112: {  	[tilespmem:v18+s14+$0x0] =	vst.idx.msk $0xffff, v17  }
0x113: {  	v18 =	vadd.s32 v15, v19;
	v17 =	vld [tilespmem:s22+$0xE0];
	_ =	sdelay $0x1  }
.Ltmp0:
0x114: {  	(pc) =	sbr.rel @p1 .LBB2_3-.Ltmp0, $3  }
0x115: {  	_ =	sdelay $0x1  }
0x116: {  	[tilespmem:v18+s14+$0x0] =	vst.idx.msk $0xffff, v17  }
0x117: {  	s24 =	sadd.s32 $0x10, s24;
	s25 =	sadd.s32 $0xFFFFFFF1, s23;
	v18 =	vadd.s32 v16, v19;
	v17 =	vld [tilespmem:s22+$0xF0]  }
0x118: {  	v19 =	vmov s25  }
0x119: {  	v19 =	vshrl.u32 v19, $0x3  }
0x11a: {  	v19 =	vshll.u32 v19, v1  }
0x11b: {  	v19 =	vbroadcast v19, $0x0  }
0x11c: {  	s22 =	sadd.s32 $0x200, s22;
	[tilespmem:v18+s14+$0x0] =	vst.idx.msk $0xffff, v17  }
0x11d: {  	v17 =	vld [tilespmem:s22+$0xFFFFFF00];
	v18 =	vadd.s32 v0, v19;
	_ =	sdelay $0x4  }
0x11e: {  	[tilespmem:v18+s14+$0x0] =	vst.idx.msk $0xffff, v17  }
0x11f: {  	s24 =	sadd.s32 $0xFFFFFFF2, s23;
	v18 =	vadd.s32 v2, v19;
	v17 =	vld [tilespmem:s22+$0xFFFFFF10]  }
0x120: {  	v19 =	vmov s24  }
0x121: {  	v19 =	vshrl.u32 v19, $0x3  }
0x122: {  	v19 =	vshll.u32 v19, v1  }
0x123: {  	v19 =	vbroadcast v19, $0x0  }
0x124: {  	[tilespmem:v18+s14+$0x0] =	vst.idx.msk $0xffff, v17  }
0x125: {  	v18 =	vadd.s32 v3, v19;
	v17 =	vld [tilespmem:s22+$0xFFFFFF20];
	_ =	sdelay $0x4  }
0x126: {  	[tilespmem:v18+s14+$0x0] =	vst.idx.msk $0xffff, v17  }
0x127: {  	s30 =	sadd.s32 $0xFFFFFFF3, s23;
	v18 =	vadd.s32 v4, v19;
	v17 =	vld [tilespmem:s22+$0xFFFFFF30]  }
0x128: {  	v19 =	vmov s30  }
0x129: {  	v19 =	vshrl.u32 v19, $0x3  }
0x12a: {  	v19 =	vshll.u32 v19, v1  }
0x12b: {  	v19 =	vbroadcast v19, $0x0  }
0x12c: {  	[tilespmem:v18+s14+$0x0] =	vst.idx.msk $0xffff, v17  }
0x12d: {  	v18 =	vadd.s32 v5, v19;
	v17 =	vld [tilespmem:s22+$0xFFFFFF40];
	_ =	sdelay $0x4  }
0x12e: {  	[tilespmem:v18+s14+$0x0] =	vst.idx.msk $0xffff, v17  }
0x12f: {  	s31 =	sadd.s32 $0xFFFFFFF4, s23;
	v18 =	vadd.s32 v6, v19;
	v17 =	vld [tilespmem:s22+$0xFFFFFF50]  }
0x130: {  	v19 =	vmov s31  }
0x131: {  	v19 =	vshrl.u32 v19, $0x3  }
0x132: {  	v19 =	vshll.u32 v19, v1  }
0x133: {  	v19 =	vbroadcast v19, $0x0  }
0x134: {  	[tilespmem:v18+s14+$0x0] =	vst.idx.msk $0xffff, v17  }
0x135: {  	v18 =	vadd.s32 v7, v19;
	v17 =	vld [tilespmem:s22+$0xFFFFFF60];
	_ =	sdelay $0x4  }
0x136: {  	[tilespmem:v18+s14+$0x0] =	vst.idx.msk $0xffff, v17  }
0x137: {  	s25 =	sadd.s32 $0xFFFFFFF5, s23;
	v18 =	vadd.s32 v8, v19;
	v17 =	vld [tilespmem:s22+$0xFFFFFF70]  }
0x138: {  	v19 =	vmov s25  }
0x139: {  	v19 =	vshrl.u32 v19, $0x3  }
0x13a: {  	v19 =	vshll.u32 v19, v1  }
0x13b: {  	v19 =	vbroadcast v19, $0x0  }
0x13c: {  	[tilespmem:v18+s14+$0x0] =	vst.idx.msk $0xffff, v17  }
0x13d: {  	v18 =	vadd.s32 v9, v19;
	v17 =	vld [tilespmem:s22+$0xFFFFFF80];
	_ =	sdelay $0x4  }
0x13e: {  	[tilespmem:v18+s14+$0x0] =	vst.idx.msk $0xffff, v17  }
0x13f: {  	s26 =	sadd.s32 $0xFFFFFFF6, s23;
	v18 =	vadd.s32 v10, v19;
	v17 =	vld [tilespmem:s22+$0xFFFFFF90]  }
0x140: {  	v19 =	vmov s26  }
0x141: {  	v19 =	vshrl.u32 v19, $0x3  }
0x142: {  	v19 =	vshll.u32 v19, v1  }
0x143: {  	v19 =	vbroadcast v19, $0x0  }
0x144: {  	[tilespmem:v18+s14+$0x0] =	vst.idx.msk $0xffff, v17  }
0x145: {  	v18 =	vadd.s32 v11, v19;
	v17 =	vld [tilespmem:s22+$0xFFFFFFA0];
	_ =	sdelay $0x4  }
0x146: {  	[tilespmem:v18+s14+$0x0] =	vst.idx.msk $0xffff, v17  }
0x147: {  	s28 =	sadd.s32 $0xFFFFFFF7, s23;
	v18 =	vadd.s32 v12, v19;
	v17 =	vld [tilespmem:s22+$0xFFFFFFB0]  }
0x148: {  	v19 =	vmov s28  }
0x149: {  	v19 =	vshrl.u32 v19, $0x3  }
0x14a: {  	v19 =	vshll.u32 v19, v1  }
0x14b: {  	v19 =	vbroadcast v19, $0x0  }
0x14c: {  	[tilespmem:v18+s14+$0x0] =	vst.idx.msk $0xffff, v17  }
0x14d: {  	v18 =	vadd.s32 v13, v19;
	v17 =	vld [tilespmem:s22+$0xFFFFFFC0];
	_ =	sdelay $0x4  }
0x14e: {  	[tilespmem:v18+s14+$0x0] =	vst.idx.msk $0xffff, v17  }
0x14f: {  	s29 =	sadd.s32 $0xFFFFFFF8, s23;
	v18 =	vadd.s32 v14, v19;
	v17 =	vld [tilespmem:s22+$0xFFFFFFD0]  }
0x150: {  	v19 =	vmov s29  }
0x151: {  	v19 =	vshrl.u32 v19, $0x3  }
0x152: {  	v19 =	vshll.u32 v19, v1  }
0x153: {  	v19 =	vbroadcast v19, $0x0  }
0x154: {  	[tilespmem:v18+s14+$0x0] =	vst.idx.msk $0xffff, v17  }
0x155: {  	v18 =	vadd.s32 v15, v19;
	v17 =	vld [tilespmem:s22+$0xFFFFFFE0];
	_ =	sdelay $0x4  }
0x156: {  	[tilespmem:v18+s14+$0x0] =	vst.idx.msk $0xffff, v17  }
0x157: {  	s30 =	sadd.s32 $0xFFFFFFF9, s23;
	v18 =	vadd.s32 v16, v19;
	v17 =	vld [tilespmem:s22+$0xFFFFFFF0]  }
0x158: {  	v19 =	vmov s30  }
0x159: {  	v19 =	vshrl.u32 v19, $0x3  }
0x15a: {  	v19 =	vshll.u32 v19, v1  }
0x15b: {  	v19 =	vbroadcast v19, $0x0  }
0x15c: {  	[tilespmem:v18+s14+$0x0] =	vst.idx.msk $0xffff, v17  }
0x15d: {  	v18 =	vadd.s32 v0, v19;
	v17 =	vld [tilespmem:s22+$0x0];
	_ =	sdelay $0x4  }
0x15e: {  	[tilespmem:v18+s14+$0x0] =	vst.idx.msk $0xffff, v17  }
0x15f: {  	s31 =	sadd.s32 $0xFFFFFFFA, s23;
	v18 =	vadd.s32 v2, v19;
	v17 =	vld [tilespmem:s22+$0x10]  }
0x160: {  	v19 =	vmov s31  }
0x161: {  	v19 =	vshrl.u32 v19, $0x3  }
0x162: {  	v19 =	vshll.u32 v19, v1  }
0x163: {  	v19 =	vbroadcast v19, $0x0  }
0x164: {  	[tilespmem:v18+s14+$0x0] =	vst.idx.msk $0xffff, v17  }
0x165: {  	v18 =	vadd.s32 v3, v19;
	v17 =	vld [tilespmem:s22+$0x20];
	_ =	sdelay $0x4  }
0x166: {  	[tilespmem:v18+s14+$0x0] =	vst.idx.msk $0xffff, v17  }
0x167: {  	s25 =	sadd.s32 $0xFFFFFFFB, s23;
	v18 =	vadd.s32 v4, v19;
	v17 =	vld [tilespmem:s22+$0x30]  }
0x168: {  	v19 =	vmov s25  }
0x169: {  	v19 =	vshrl.u32 v19, $0x3  }
0x16a: {  	v19 =	vshll.u32 v19, v1  }
0x16b: {  	v19 =	vbroadcast v19, $0x0  }
0x16c: {  	[tilespmem:v18+s14+$0x0] =	vst.idx.msk $0xffff, v17  }
0x16d: {  	v18 =	vadd.s32 v5, v19;
	v17 =	vld [tilespmem:s22+$0x40];
	_ =	sdelay $0x4  }
0x16e: {  	[tilespmem:v18+s14+$0x0] =	vst.idx.msk $0xffff, v17  }
0x16f: {  	s26 =	sadd.s32 $0xFFFFFFFC, s23;
	v18 =	vadd.s32 v6, v19;
	v17 =	vld [tilespmem:s22+$0x50]  }
0x170: {  	v19 =	vmov s26  }
0x171: {  	v19 =	vshrl.u32 v19, $0x3  }
0x172: {  	v19 =	vshll.u32 v19, v1  }
0x173: {  	v19 =	vbroadcast v19, $0x0  }
0x174: {  	[tilespmem:v18+s14+$0x0] =	vst.idx.msk $0xffff, v17  }
0x175: {  	v18 =	vadd.s32 v7, v19;
	v17 =	vld [tilespmem:s22+$0x60];
	_ =	sdelay $0x4  }
0x176: {  	[tilespmem:v18+s14+$0x0] =	vst.idx.msk $0xffff, v17  }
0x177: {  	s28 =	sadd.s32 $0xFFFFFFFD, s23;
	v18 =	vadd.s32 v8, v19;
	v17 =	vld [tilespmem:s22+$0x70]  }
0x178: {  	v19 =	vmov s28  }
0x179: {  	v19 =	vshrl.u32 v19, $0x3  }
0x17a: {  	v19 =	vshll.u32 v19, v1  }
0x17b: {  	v19 =	vbroadcast v19, $0x0  }
0x17c: {  	[tilespmem:v18+s14+$0x0] =	vst.idx.msk $0xffff, v17  }
0x17d: {  	v18 =	vadd.s32 v9, v19;
	v17 =	vld [tilespmem:s22+$0x80];
	_ =	sdelay $0x4  }
0x17e: {  	[tilespmem:v18+s14+$0x0] =	vst.idx.msk $0xffff, v17  }
0x17f: {  	s29 =	sadd.s32 $0xFFFFFFFE, s23;
	v18 =	vadd.s32 v10, v19;
	v17 =	vld [tilespmem:s22+$0x90]  }
0x180: {  	v19 =	vmov s29  }
0x181: {  	v19 =	vshrl.u32 v19, $0x3  }
0x182: {  	v19 =	vshll.u32 v19, v1  }
0x183: {  	v19 =	vbroadcast v19, $0x0  }
0x184: {  	[tilespmem:v18+s14+$0x0] =	vst.idx.msk $0xffff, v17  }
0x185: {  	v18 =	vadd.s32 v11, v19;
	v17 =	vld [tilespmem:s22+$0xA0];
	_ =	sdelay $0x4  }
0x186: {  	[tilespmem:v18+s14+$0x0] =	vst.idx.msk $0xffff, v17  }
0x187: {  	s30 =	sadd.s32 $0xFFFFFFFF, s23;
	v18 =	vadd.s32 v12, v19;
	v17 =	vld [tilespmem:s22+$0xB0]  }
0x188: {  	v19 =	vmov s30  }
0x189: {  	v19 =	vshrl.u32 v19, $0x3  }
0x18a: {  	v19 =	vshll.u32 v19, v1  }
0x18b: {  	v19 =	vbroadcast v19, $0x0  }
0x18c: {  	[tilespmem:v18+s14+$0x0] =	vst.idx.msk $0xffff, v17  }
0x18d: {  	v18 =	vadd.s32 v13, v19;
	v17 =	vld [tilespmem:s22+$0xC0];
	_ =	sdelay $0x4  }
0x18e: {  	[tilespmem:v18+s14+$0x0] =	vst.idx.msk $0xffff, v17  }
0x18f: {  	v18 =	vadd.s32 v14, v19;
	v17 =	vld [tilespmem:s22+$0xD0]  }
0x190: {  	v19 =	vmov s23  }
0x191: {  	v19 =	vshrl.u32 v19, $0x3  }
0x192: {  	v19 =	vshll.u32 v19, v1  }
0x193: {  	v19 =	vbroadcast v19, $0x0  }
0x194: {  	[tilespmem:v18+s14+$0x0] =	vst.idx.msk $0xffff, v17  }
0x195: {  	v18 =	vadd.s32 v15, v19;
	v17 =	vld [tilespmem:s22+$0xE0];
	_ =	sdelay $0x4  }
0x196: {  	[tilespmem:v18+s14+$0x0] =	vst.idx.msk $0xffff, v17  }
0x197: {  	v18 =	vadd.s32 v16, v19;
	v17 =	vld [tilespmem:s22+$0xF0]  }
0x198: {  	s31 =	sshll.u32 s20, $0x14  }
0x199: {  	s22 =	sor.u32 s4, s31  }
0x19a: {  	s22 =	sshrl.u32 s22, $0x3  }
0x19b: {  	s24 =	simm.s32 $0x800;
	s22 =	sadd.s32 s5, s22  }
0x19c: {  	s25 =	simm.s32 $0x14A08;
	s23 =	simm.s32 $0x14800;
	s26 =	sadd.s32 $0x0, s22;
	[tilespmem:v18+s14+$0x0] =	vst.idx.msk $0xffff, v17  }
.LBB2_5:
0x19d: {  	[hbm4b:s26+s3] =	stream.linear.scatter [tilespmem:s23], [sflag:$0x3], $0x200, $0x38;
	[tilespmem:$0x1CA00] =	vst v63  }
0x19e: {  	s26 =	smov.u32 s24;
	s23 =	smov.u32 s25;
	p1 =	sne.s32 s24, $0xF800  }
.Ltmp1:
0x19f: {  	s24 =	sadd.s32 $0x800, s24;
	(pc) =	sbr.rel @p1 .LBB2_5-.Ltmp1, $2  }
0x1a0: {  	_ =	sdelay $0x2  }
0x1a1: {  	s25 =	sadd.s32 $0x208, s25;
	s26 =	sadd.s32 s26, s22  }
0x1a2: {  	p1 =	sne.s32 s20, $0x31  }
.Ltmp2:
0x1a3: {  	_ = 	snop;
	(pc) =	sbr.rel @p1 .LBB2_8-.Ltmp2, $2  }
0x1a4: {  	_ =	sdelay $0x2  }
0x1a5: {  	[hbm4b:s26+s3] =	stream.linear.scatter [tilespmem:s23], [sflag:$0x3], $0x200, $0x38;
	[tilespmem:$0x1CA00] =	vst v63  }
.Ltmp3:
0x1a6: {  	(pc) =	sbr.rel .LBB2_9-.Ltmp3, $4  }
0x1a7: {  	_ = 	snop  }
0x1a8: {  	_ =	swait.ge [sflag:s15], $0x4000  }
0x1a9: {  	[sflag:s15] =	ssyncset.done $0x0  }
0x1aa: {  	[sflag:s15] =	ssyncadd.s32 $0xFFFFC000  }
.LBB2_8:
0x1ab: {  	s22 =	sshll.u32 s20, $0xA  }
0x1ac: {  	s22 =	sand.u32 $0x3FFFFC00, s22  }
.Ltmp4:
0x1ad: {  	s22 =	sadd.s32 $0x400, s22;
	(pc) =	sbr.rel @p0 .LBB2_10-.Ltmp4, $4  }
0x1ae: {  	[tilespmem:s11], [sflag:$0x1] =	stream.indirect.gather [hbm4b:s2+s8], $0x20, s22, s8, $0xb8;
	[tilespmem:$0x1CA00] =	vst v63  }
0x1af: {  	_ =	swait.ge [sflag:s15], $0x4000  }
0x1b0: {  	[sflag:s15] =	ssyncset.done $0x0  }
0x1b1: {  	[sflag:s15] =	ssyncadd.s32 $0xFFFFC000  }
.LBB2_9:
0x1b2: {  	_ =	swait.ge [sflag:s16], $0x4000  }
0x1b3: {  	[sflag:s16] =	ssyncset.done $0x0  }
0x1b4: {  	[sflag:s16] =	ssyncadd.s32 $0xFFFFC000  }
.LBB2_10:
0x1b5: {  	s22 =	simm.s32 $0x0  }
0x1b6: {  	v17 =	vmov s22  }
0x1b7: {  	v17 =	vshrl.u32 v17, $0x3  }
0x1b8: {  	v17 =	vshll.u32 v17, v1  }
0x1b9: {  	v17 =	vbroadcast v17, $0x0  }
0x1ba: {  	s22 =	simm.s32 $0x10900  }
0x1bb: {  	v18 =	vld [tilespmem:s22+$0xFFFFFF00];
	v19 =	vadd.s32 v0, v17;
	_ =	sdelay $0x4  }
0x1bc: {  	[tilespmem:v19+s17+$0x0] =	vst.idx.msk $0xffff, v18  }
0x1bd: {  	s23 =	simm.s32 $0x1;
	v17 =	vadd.s32 v2, v17;
	v18 =	vld [tilespmem:s22+$0xFFFFFF10]  }
0x1be: {  	v19 =	vmov s23  }
0x1bf: {  	v19 =	vshrl.u32 v19, $0x3  }
0x1c0: {  	v19 =	vshll.u32 v19, v1  }
0x1c1: {  	v19 =	vbroadcast v19, $0x0  }
0x1c2: {  	[tilespmem:v17+s17+$0x0] =	vst.idx.msk $0xffff, v18  }
0x1c3: {  	v18 =	vadd.s32 v3, v19;
	v17 =	vld [tilespmem:s22+$0xFFFFFF20];
	_ =	sdelay $0x4  }
0x1c4: {  	[tilespmem:v18+s17+$0x0] =	vst.idx.msk $0xffff, v17  }
0x1c5: {  	s24 =	simm.s32 $0x2;
	v18 =	vadd.s32 v4, v19;
	v17 =	vld [tilespmem:s22+$0xFFFFFF30]  }
0x1c6: {  	v19 =	vmov s24  }
0x1c7: {  	v19 =	vshrl.u32 v19, $0x3  }
0x1c8: {  	v19 =	vshll.u32 v19, v1  }
0x1c9: {  	v19 =	vbroadcast v19, $0x0  }
0x1ca: {  	[tilespmem:v18+s17+$0x0] =	vst.idx.msk $0xffff, v17  }
0x1cb: {  	v18 =	vadd.s32 v5, v19;
	v17 =	vld [tilespmem:s22+$0xFFFFFF40];
	_ =	sdelay $0x4  }
0x1cc: {  	[tilespmem:v18+s17+$0x0] =	vst.idx.msk $0xffff, v17  }
0x1cd: {  	s25 =	simm.s32 $0x3;
	v18 =	vadd.s32 v6, v19;
	v17 =	vld [tilespmem:s22+$0xFFFFFF50]  }
0x1ce: {  	v19 =	vmov s25  }
0x1cf: {  	v19 =	vshrl.u32 v19, $0x3  }
0x1d0: {  	v19 =	vshll.u32 v19, v1  }
0x1d1: {  	v19 =	vbroadcast v19, $0x0  }
0x1d2: {  	[tilespmem:v18+s17+$0x0] =	vst.idx.msk $0xffff, v17  }
0x1d3: {  	v18 =	vadd.s32 v7, v19;
	v17 =	vld [tilespmem:s22+$0xFFFFFF60];
	_ =	sdelay $0x4  }
0x1d4: {  	[tilespmem:v18+s17+$0x0] =	vst.idx.msk $0xffff, v17  }
0x1d5: {  	s26 =	simm.s32 $0x4;
	v18 =	vadd.s32 v8, v19;
	v17 =	vld [tilespmem:s22+$0xFFFFFF70]  }
0x1d6: {  	v19 =	vmov s26  }
0x1d7: {  	v19 =	vshrl.u32 v19, $0x3  }
0x1d8: {  	v19 =	vshll.u32 v19, v1  }
0x1d9: {  	v19 =	vbroadcast v19, $0x0  }
0x1da: {  	[tilespmem:v18+s17+$0x0] =	vst.idx.msk $0xffff, v17  }
0x1db: {  	v18 =	vadd.s32 v9, v19;
	v17 =	vld [tilespmem:s22+$0xFFFFFF80];
	_ =	sdelay $0x4  }
0x1dc: {  	[tilespmem:v18+s17+$0x0] =	vst.idx.msk $0xffff, v17  }
0x1dd: {  	s28 =	simm.s32 $0x5;
	v18 =	vadd.s32 v10, v19;
	v17 =	vld [tilespmem:s22+$0xFFFFFF90]  }
0x1de: {  	v19 =	vmov s28  }
0x1df: {  	v19 =	vshrl.u32 v19, $0x3  }
0x1e0: {  	v19 =	vshll.u32 v19, v1  }
0x1e1: {  	v19 =	vbroadcast v19, $0x0  }
0x1e2: {  	[tilespmem:v18+s17+$0x0] =	vst.idx.msk $0xffff, v17  }
0x1e3: {  	v18 =	vadd.s32 v11, v19;
	v17 =	vld [tilespmem:s22+$0xFFFFFFA0];
	_ =	sdelay $0x4  }
0x1e4: {  	[tilespmem:v18+s17+$0x0] =	vst.idx.msk $0xffff, v17  }
0x1e5: {  	s29 =	simm.s32 $0x6;
	v18 =	vadd.s32 v12, v19;
	v17 =	vld [tilespmem:s22+$0xFFFFFFB0]  }
0x1e6: {  	v19 =	vmov s29  }
0x1e7: {  	v19 =	vshrl.u32 v19, $0x3  }
0x1e8: {  	v19 =	vshll.u32 v19, v1  }
0x1e9: {  	v19 =	vbroadcast v19, $0x0  }
0x1ea: {  	[tilespmem:v18+s17+$0x0] =	vst.idx.msk $0xffff, v17  }
0x1eb: {  	v18 =	vadd.s32 v13, v19;
	v17 =	vld [tilespmem:s22+$0xFFFFFFC0];
	_ =	sdelay $0x4  }
0x1ec: {  	[tilespmem:v18+s17+$0x0] =	vst.idx.msk $0xffff, v17  }
0x1ed: {  	s30 =	simm.s32 $0x7;
	v18 =	vadd.s32 v14, v19;
	v17 =	vld [tilespmem:s22+$0xFFFFFFD0]  }
0x1ee: {  	v19 =	vmov s30  }
0x1ef: {  	v19 =	vshrl.u32 v19, $0x3  }
0x1f0: {  	v19 =	vshll.u32 v19, v1  }
0x1f1: {  	v19 =	vbroadcast v19, $0x0  }
0x1f2: {  	[tilespmem:v18+s17+$0x0] =	vst.idx.msk $0xffff, v17  }
0x1f3: {  	v18 =	vadd.s32 v15, v19;
	v17 =	vld [tilespmem:s22+$0xFFFFFFE0];
	_ =	sdelay $0x4  }
0x1f4: {  	[tilespmem:v18+s17+$0x0] =	vst.idx.msk $0xffff, v17  }
0x1f5: {  	s31 =	simm.s32 $0x8;
	v18 =	vadd.s32 v16, v19;
	v17 =	vld [tilespmem:s22+$0xFFFFFFF0]  }
0x1f6: {  	v19 =	vmov s31  }
0x1f7: {  	v19 =	vshrl.u32 v19, $0x3  }
0x1f8: {  	v19 =	vshll.u32 v19, v1  }
0x1f9: {  	v19 =	vbroadcast v19, $0x0  }
0x1fa: {  	[tilespmem:v18+s17+$0x0] =	vst.idx.msk $0xffff, v17  }
0x1fb: {  	v18 =	vadd.s32 v0, v19;
	v17 =	vld [tilespmem:s22+$0x0];
	_ =	sdelay $0x4  }
0x1fc: {  	[tilespmem:v18+s17+$0x0] =	vst.idx.msk $0xffff, v17  }
0x1fd: {  	s24 =	simm.s32 $0x9;
	v18 =	vadd.s32 v2, v19;
	v17 =	vld [tilespmem:s22+$0x10]  }
0x1fe: {  	v19 =	vmov s24  }
0x1ff: {  	v19 =	vshrl.u32 v19, $0x3  }
0x200: {  	v19 =	vshll.u32 v19, v1  }
0x201: {  	v19 =	vbroadcast v19, $0x0  }
0x202: {  	[tilespmem:v18+s17+$0x0] =	vst.idx.msk $0xffff, v17  }
0x203: {  	v18 =	vadd.s32 v3, v19;
	v17 =	vld [tilespmem:s22+$0x20];
	_ =	sdelay $0x4  }
0x204: {  	[tilespmem:v18+s17+$0x0] =	vst.idx.msk $0xffff, v17  }
0x205: {  	s25 =	simm.s32 $0xA;
	v18 =	vadd.s32 v4, v19;
	v17 =	vld [tilespmem:s22+$0x30]  }
0x206: {  	v19 =	vmov s25  }
0x207: {  	v19 =	vshrl.u32 v19, $0x3  }
0x208: {  	v19 =	vshll.u32 v19, v1  }
0x209: {  	v19 =	vbroadcast v19, $0x0  }
0x20a: {  	[tilespmem:v18+s17+$0x0] =	vst.idx.msk $0xffff, v17  }
0x20b: {  	v18 =	vadd.s32 v5, v19;
	v17 =	vld [tilespmem:s22+$0x40];
	_ =	sdelay $0x4  }
0x20c: {  	[tilespmem:v18+s17+$0x0] =	vst.idx.msk $0xffff, v17  }
0x20d: {  	s26 =	simm.s32 $0xB;
	v18 =	vadd.s32 v6, v19;
	v17 =	vld [tilespmem:s22+$0x50]  }
0x20e: {  	v19 =	vmov s26  }
0x20f: {  	v19 =	vshrl.u32 v19, $0x3  }
0x210: {  	v19 =	vshll.u32 v19, v1  }
0x211: {  	v19 =	vbroadcast v19, $0x0  }
0x212: {  	[tilespmem:v18+s17+$0x0] =	vst.idx.msk $0xffff, v17  }
0x213: {  	v18 =	vadd.s32 v7, v19;
	v17 =	vld [tilespmem:s22+$0x60];
	_ =	sdelay $0x4  }
0x214: {  	[tilespmem:v18+s17+$0x0] =	vst.idx.msk $0xffff, v17  }
0x215: {  	s28 =	simm.s32 $0xC;
	v18 =	vadd.s32 v8, v19;
	v17 =	vld [tilespmem:s22+$0x70]  }
0x216: {  	v19 =	vmov s28  }
0x217: {  	v19 =	vshrl.u32 v19, $0x3  }
0x218: {  	v19 =	vshll.u32 v19, v1  }
0x219: {  	v19 =	vbroadcast v19, $0x0  }
0x21a: {  	[tilespmem:v18+s17+$0x0] =	vst.idx.msk $0xffff, v17  }
0x21b: {  	v18 =	vadd.s32 v9, v19;
	v17 =	vld [tilespmem:s22+$0x80];
	_ =	sdelay $0x4  }
0x21c: {  	[tilespmem:v18+s17+$0x0] =	vst.idx.msk $0xffff, v17  }
0x21d: {  	s29 =	simm.s32 $0xD;
	v18 =	vadd.s32 v10, v19;
	v17 =	vld [tilespmem:s22+$0x90]  }
0x21e: {  	v19 =	vmov s29  }
0x21f: {  	v19 =	vshrl.u32 v19, $0x3  }
0x220: {  	v19 =	vshll.u32 v19, v1  }
0x221: {  	v19 =	vbroadcast v19, $0x0  }
0x222: {  	[tilespmem:v18+s17+$0x0] =	vst.idx.msk $0xffff, v17  }
0x223: {  	v18 =	vadd.s32 v11, v19;
	v17 =	vld [tilespmem:s22+$0xA0];
	_ =	sdelay $0x4  }
0x224: {  	[tilespmem:v18+s17+$0x0] =	vst.idx.msk $0xffff, v17  }
0x225: {  	s30 =	simm.s32 $0xE;
	v18 =	vadd.s32 v12, v19;
	v17 =	vld [tilespmem:s22+$0xB0]  }
0x226: {  	v19 =	vmov s30  }
0x227: {  	v19 =	vshrl.u32 v19, $0x3  }
0x228: {  	v19 =	vshll.u32 v19, v1  }
0x229: {  	v19 =	vbroadcast v19, $0x0  }
0x22a: {  	[tilespmem:v18+s17+$0x0] =	vst.idx.msk $0xffff, v17  }
0x22b: {  	v18 =	vadd.s32 v13, v19;
	v17 =	vld [tilespmem:s22+$0xC0];
	_ =	sdelay $0x4  }
0x22c: {  	[tilespmem:v18+s17+$0x0] =	vst.idx.msk $0xffff, v17  }
0x22d: {  	s31 =	simm.s32 $0xF;
	v18 =	vadd.s32 v14, v19;
	v17 =	vld [tilespmem:s22+$0xD0]  }
0x22e: {  	v19 =	vmov s31  }
0x22f: {  	v19 =	vshrl.u32 v19, $0x3  }
0x230: {  	v19 =	vshll.u32 v19, v1  }
0x231: {  	v19 =	vbroadcast v19, $0x0  }
0x232: {  	[tilespmem:v18+s17+$0x0] =	vst.idx.msk $0xffff, v17  }
0x233: {  	v18 =	vadd.s32 v15, v19;
	v17 =	vld [tilespmem:s22+$0xE0];
	_ =	sdelay $0x4  }
0x234: {  	[tilespmem:v18+s17+$0x0] =	vst.idx.msk $0xffff, v17  }
0x235: {  	s23 =	simm.s32 $0x1F;
	s24 =	simm.s32 $0x2F;
	s25 =	simm.s32 $0x10;
	v18 =	vadd.s32 v16, v19;
	v17 =	vld [tilespmem:s22+$0xF0]  }
.LBB2_11:
0x236: {  	p0 =	sne.s32 s24, $0x1FF;
	v19 =	vmov s25  }
0x237: {  	v19 =	vshrl.u32 v19, $0x3  }
0x238: {  	v19 =	vshll.u32 v19, v1  }
0x239: {  	v19 =	vbroadcast v19, $0x0  }
0x23a: {  	s22 =	sadd.s32 $0x200, s22;
	[tilespmem:v18+s17+$0x0] =	vst.idx.msk $0xffff, v17  }
0x23b: {  	v17 =	vld [tilespmem:s22+$0xFFFFFF00];
	v18 =	vadd.s32 v0, v19;
	_ =	sdelay $0x4  }
0x23c: {  	[tilespmem:v18+s17+$0x0] =	vst.idx.msk $0xffff, v17  }
0x23d: {  	s25 =	sadd.s32 $0xFFFFFFF2, s23;
	v18 =	vadd.s32 v2, v19;
	v17 =	vld [tilespmem:s22+$0xFFFFFF10]  }
0x23e: {  	v19 =	vmov s25  }
0x23f: {  	v19 =	vshrl.u32 v19, $0x3  }
0x240: {  	v19 =	vshll.u32 v19, v1  }
0x241: {  	v19 =	vbroadcast v19, $0x0  }
0x242: {  	[tilespmem:v18+s17+$0x0] =	vst.idx.msk $0xffff, v17  }
0x243: {  	v18 =	vadd.s32 v3, v19;
	v17 =	vld [tilespmem:s22+$0xFFFFFF20];
	_ =	sdelay $0x4  }
0x244: {  	[tilespmem:v18+s17+$0x0] =	vst.idx.msk $0xffff, v17  }
0x245: {  	s25 =	sadd.s32 $0xFFFFFFF3, s23;
	v18 =	vadd.s32 v4, v19;
	v17 =	vld [tilespmem:s22+$0xFFFFFF30]  }
0x246: {  	v19 =	vmov s25  }
0x247: {  	v19 =	vshrl.u32 v19, $0x3  }
0x248: {  	v19 =	vshll.u32 v19, v1  }
0x249: {  	v19 =	vbroadcast v19, $0x0  }
0x24a: {  	[tilespmem:v18+s17+$0x0] =	vst.idx.msk $0xffff, v17  }
0x24b: {  	v18 =	vadd.s32 v5, v19;
	v17 =	vld [tilespmem:s22+$0xFFFFFF40];
	_ =	sdelay $0x4  }
0x24c: {  	[tilespmem:v18+s17+$0x0] =	vst.idx.msk $0xffff, v17  }
0x24d: {  	s25 =	sadd.s32 $0xFFFFFFF4, s23;
	v18 =	vadd.s32 v6, v19;
	v17 =	vld [tilespmem:s22+$0xFFFFFF50]  }
0x24e: {  	v19 =	vmov s25  }
0x24f: {  	v19 =	vshrl.u32 v19, $0x3  }
0x250: {  	v19 =	vshll.u32 v19, v1  }
0x251: {  	v19 =	vbroadcast v19, $0x0  }
0x252: {  	[tilespmem:v18+s17+$0x0] =	vst.idx.msk $0xffff, v17  }
0x253: {  	v18 =	vadd.s32 v7, v19;
	v17 =	vld [tilespmem:s22+$0xFFFFFF60];
	_ =	sdelay $0x4  }
0x254: {  	[tilespmem:v18+s17+$0x0] =	vst.idx.msk $0xffff, v17  }
0x255: {  	s25 =	sadd.s32 $0xFFFFFFF5, s23;
	v18 =	vadd.s32 v8, v19;
	v17 =	vld [tilespmem:s22+$0xFFFFFF70]  }
0x256: {  	v19 =	vmov s25  }
0x257: {  	v19 =	vshrl.u32 v19, $0x3  }
0x258: {  	v19 =	vshll.u32 v19, v1  }
0x259: {  	v19 =	vbroadcast v19, $0x0  }
0x25a: {  	[tilespmem:v18+s17+$0x0] =	vst.idx.msk $0xffff, v17  }
0x25b: {  	v18 =	vadd.s32 v9, v19;
	v17 =	vld [tilespmem:s22+$0xFFFFFF80];
	_ =	sdelay $0x4  }
0x25c: {  	[tilespmem:v18+s17+$0x0] =	vst.idx.msk $0xffff, v17  }
0x25d: {  	s25 =	sadd.s32 $0xFFFFFFF6, s23;
	v18 =	vadd.s32 v10, v19;
	v17 =	vld [tilespmem:s22+$0xFFFFFF90]  }
0x25e: {  	v19 =	vmov s25  }
0x25f: {  	v19 =	vshrl.u32 v19, $0x3  }
0x260: {  	v19 =	vshll.u32 v19, v1  }
0x261: {  	v19 =	vbroadcast v19, $0x0  }
0x262: {  	[tilespmem:v18+s17+$0x0] =	vst.idx.msk $0xffff, v17  }
0x263: {  	v18 =	vadd.s32 v11, v19;
	v17 =	vld [tilespmem:s22+$0xFFFFFFA0];
	_ =	sdelay $0x4  }
0x264: {  	[tilespmem:v18+s17+$0x0] =	vst.idx.msk $0xffff, v17  }
0x265: {  	s25 =	sadd.s32 $0xFFFFFFF7, s23;
	v18 =	vadd.s32 v12, v19;
	v17 =	vld [tilespmem:s22+$0xFFFFFFB0]  }
0x266: {  	v19 =	vmov s25  }
0x267: {  	v19 =	vshrl.u32 v19, $0x3  }
0x268: {  	v19 =	vshll.u32 v19, v1  }
0x269: {  	v19 =	vbroadcast v19, $0x0  }
0x26a: {  	[tilespmem:v18+s17+$0x0] =	vst.idx.msk $0xffff, v17  }
0x26b: {  	v18 =	vadd.s32 v13, v19;
	v17 =	vld [tilespmem:s22+$0xFFFFFFC0];
	_ =	sdelay $0x4  }
0x26c: {  	[tilespmem:v18+s17+$0x0] =	vst.idx.msk $0xffff, v17  }
0x26d: {  	s25 =	sadd.s32 $0xFFFFFFF8, s23;
	v18 =	vadd.s32 v14, v19;
	v17 =	vld [tilespmem:s22+$0xFFFFFFD0]  }
0x26e: {  	v19 =	vmov s25  }
0x26f: {  	v19 =	vshrl.u32 v19, $0x3  }
0x270: {  	v19 =	vshll.u32 v19, v1  }
0x271: {  	v19 =	vbroadcast v19, $0x0  }
0x272: {  	[tilespmem:v18+s17+$0x0] =	vst.idx.msk $0xffff, v17  }
0x273: {  	v18 =	vadd.s32 v15, v19;
	v17 =	vld [tilespmem:s22+$0xFFFFFFE0];
	_ =	sdelay $0x4  }
0x274: {  	[tilespmem:v18+s17+$0x0] =	vst.idx.msk $0xffff, v17  }
0x275: {  	s25 =	sadd.s32 $0xFFFFFFF9, s23;
	v18 =	vadd.s32 v16, v19;
	v17 =	vld [tilespmem:s22+$0xFFFFFFF0]  }
0x276: {  	v19 =	vmov s25  }
0x277: {  	v19 =	vshrl.u32 v19, $0x3  }
0x278: {  	v19 =	vshll.u32 v19, v1  }
0x279: {  	v19 =	vbroadcast v19, $0x0  }
0x27a: {  	[tilespmem:v18+s17+$0x0] =	vst.idx.msk $0xffff, v17  }
0x27b: {  	v18 =	vadd.s32 v0, v19;
	v17 =	vld [tilespmem:s22+$0x0];
	_ =	sdelay $0x4  }
0x27c: {  	[tilespmem:v18+s17+$0x0] =	vst.idx.msk $0xffff, v17  }
0x27d: {  	s25 =	sadd.s32 $0xFFFFFFFA, s23;
	v18 =	vadd.s32 v2, v19;
	v17 =	vld [tilespmem:s22+$0x10]  }
0x27e: {  	v19 =	vmov s25  }
0x27f: {  	v19 =	vshrl.u32 v19, $0x3  }
0x280: {  	v19 =	vshll.u32 v19, v1  }
0x281: {  	v19 =	vbroadcast v19, $0x0  }
0x282: {  	[tilespmem:v18+s17+$0x0] =	vst.idx.msk $0xffff, v17  }
0x283: {  	v18 =	vadd.s32 v3, v19;
	v17 =	vld [tilespmem:s22+$0x20];
	_ =	sdelay $0x4  }
0x284: {  	[tilespmem:v18+s17+$0x0] =	vst.idx.msk $0xffff, v17  }
0x285: {  	s25 =	sadd.s32 $0xFFFFFFFB, s23;
	v18 =	vadd.s32 v4, v19;
	v17 =	vld [tilespmem:s22+$0x30]  }
0x286: {  	v19 =	vmov s25  }
0x287: {  	v19 =	vshrl.u32 v19, $0x3  }
0x288: {  	v19 =	vshll.u32 v19, v1  }
0x289: {  	v19 =	vbroadcast v19, $0x0  }
0x28a: {  	[tilespmem:v18+s17+$0x0] =	vst.idx.msk $0xffff, v17  }
0x28b: {  	v18 =	vadd.s32 v5, v19;
	v17 =	vld [tilespmem:s22+$0x40];
	_ =	sdelay $0x4  }
0x28c: {  	[tilespmem:v18+s17+$0x0] =	vst.idx.msk $0xffff, v17  }
0x28d: {  	s25 =	sadd.s32 $0xFFFFFFFC, s23;
	v18 =	vadd.s32 v6, v19;
	v17 =	vld [tilespmem:s22+$0x50]  }
0x28e: {  	v19 =	vmov s25  }
0x28f: {  	v19 =	vshrl.u32 v19, $0x3  }
0x290: {  	v19 =	vshll.u32 v19, v1  }
0x291: {  	v19 =	vbroadcast v19, $0x0  }
0x292: {  	[tilespmem:v18+s17+$0x0] =	vst.idx.msk $0xffff, v17  }
0x293: {  	v18 =	vadd.s32 v7, v19;
	v17 =	vld [tilespmem:s22+$0x60];
	_ =	sdelay $0x4  }
0x294: {  	[tilespmem:v18+s17+$0x0] =	vst.idx.msk $0xffff, v17  }
0x295: {  	s25 =	sadd.s32 $0xFFFFFFFD, s23;
	v18 =	vadd.s32 v8, v19;
	v17 =	vld [tilespmem:s22+$0x70]  }
0x296: {  	v19 =	vmov s25  }
0x297: {  	v19 =	vshrl.u32 v19, $0x3  }
0x298: {  	v19 =	vshll.u32 v19, v1  }
0x299: {  	v19 =	vbroadcast v19, $0x0  }
0x29a: {  	[tilespmem:v18+s17+$0x0] =	vst.idx.msk $0xffff, v17  }
0x29b: {  	v18 =	vadd.s32 v9, v19;
	v17 =	vld [tilespmem:s22+$0x80];
	_ =	sdelay $0x4  }
0x29c: {  	[tilespmem:v18+s17+$0x0] =	vst.idx.msk $0xffff, v17  }
0x29d: {  	s25 =	sadd.s32 $0xFFFFFFFE, s23;
	v18 =	vadd.s32 v10, v19;
	v17 =	vld [tilespmem:s22+$0x90]  }
0x29e: {  	v19 =	vmov s25  }
0x29f: {  	v19 =	vshrl.u32 v19, $0x3  }
0x2a0: {  	v19 =	vshll.u32 v19, v1  }
0x2a1: {  	v19 =	vbroadcast v19, $0x0  }
0x2a2: {  	[tilespmem:v18+s17+$0x0] =	vst.idx.msk $0xffff, v17  }
0x2a3: {  	v18 =	vadd.s32 v11, v19;
	v17 =	vld [tilespmem:s22+$0xA0];
	_ =	sdelay $0x4  }
0x2a4: {  	[tilespmem:v18+s17+$0x0] =	vst.idx.msk $0xffff, v17  }
0x2a5: {  	s25 =	sadd.s32 $0xFFFFFFFF, s23;
	v18 =	vadd.s32 v12, v19;
	v17 =	vld [tilespmem:s22+$0xB0]  }
0x2a6: {  	v19 =	vmov s25  }
0x2a7: {  	v19 =	vshrl.u32 v19, $0x3  }
0x2a8: {  	v19 =	vshll.u32 v19, v1  }
0x2a9: {  	v19 =	vbroadcast v19, $0x0  }
0x2aa: {  	[tilespmem:v18+s17+$0x0] =	vst.idx.msk $0xffff, v17  }
0x2ab: {  	v18 =	vadd.s32 v13, v19;
	v17 =	vld [tilespmem:s22+$0xC0];
	_ =	sdelay $0x4  }
0x2ac: {  	[tilespmem:v18+s17+$0x0] =	vst.idx.msk $0xffff, v17  }
0x2ad: {  	v18 =	vadd.s32 v14, v19;
	v17 =	vld [tilespmem:s22+$0xD0]  }
0x2ae: {  	v19 =	vmov s23;
	s23 =	smov.u32 s24  }
0x2af: {  	v19 =	vshrl.u32 v19, $0x3  }
0x2b0: {  	v19 =	vshll.u32 v19, v1  }
0x2b1: {  	v19 =	vbroadcast v19, $0x0  }
0x2b2: {  	[tilespmem:v18+s17+$0x0] =	vst.idx.msk $0xffff, v17  }
0x2b3: {  	v18 =	vadd.s32 v15, v19;
	v17 =	vld [tilespmem:s22+$0xE0];
	_ =	sdelay $0x1  }
.Ltmp5:
0x2b4: {  	(pc) =	sbr.rel @p0 .LBB2_11-.Ltmp5, $3  }
0x2b5: {  	_ =	sdelay $0x1  }
0x2b6: {  	[tilespmem:v18+s17+$0x0] =	vst.idx.msk $0xffff, v17  }
0x2b7: {  	s24 =	sadd.s32 $0x10, s24;
	s25 =	sadd.s32 $0xFFFFFFF1, s23;
	v18 =	vadd.s32 v16, v19;
	v17 =	vld [tilespmem:s22+$0xF0]  }
0x2b8: {  	v19 =	vmov s25  }
0x2b9: {  	v19 =	vshrl.u32 v19, $0x3  }
0x2ba: {  	v19 =	vshll.u32 v19, v1  }
0x2bb: {  	v19 =	vbroadcast v19, $0x0  }
0x2bc: {  	s22 =	sadd.s32 $0x200, s22;
	[tilespmem:v18+s17+$0x0] =	vst.idx.msk $0xffff, v17  }
0x2bd: {  	v17 =	vld [tilespmem:s22+$0xFFFFFF00];
	v18 =	vadd.s32 v0, v19;
	_ =	sdelay $0x4  }
0x2be: {  	[tilespmem:v18+s17+$0x0] =	vst.idx.msk $0xffff, v17  }
0x2bf: {  	s24 =	sadd.s32 $0xFFFFFFF2, s23;
	v18 =	vadd.s32 v2, v19;
	v17 =	vld [tilespmem:s22+$0xFFFFFF10]  }
0x2c0: {  	v19 =	vmov s24  }
0x2c1: {  	v19 =	vshrl.u32 v19, $0x3  }
0x2c2: {  	v19 =	vshll.u32 v19, v1  }
0x2c3: {  	v19 =	vbroadcast v19, $0x0  }
0x2c4: {  	[tilespmem:v18+s17+$0x0] =	vst.idx.msk $0xffff, v17  }
0x2c5: {  	v18 =	vadd.s32 v3, v19;
	v17 =	vld [tilespmem:s22+$0xFFFFFF20];
	_ =	sdelay $0x4  }
0x2c6: {  	[tilespmem:v18+s17+$0x0] =	vst.idx.msk $0xffff, v17  }
0x2c7: {  	s31 =	sadd.s32 $0xFFFFFFF3, s23;
	v18 =	vadd.s32 v4, v19;
	v17 =	vld [tilespmem:s22+$0xFFFFFF30]  }
0x2c8: {  	v19 =	vmov s31  }
0x2c9: {  	v19 =	vshrl.u32 v19, $0x3  }
0x2ca: {  	v19 =	vshll.u32 v19, v1  }
0x2cb: {  	v19 =	vbroadcast v19, $0x0  }
0x2cc: {  	[tilespmem:v18+s17+$0x0] =	vst.idx.msk $0xffff, v17  }
0x2cd: {  	v18 =	vadd.s32 v5, v19;
	v17 =	vld [tilespmem:s22+$0xFFFFFF40];
	_ =	sdelay $0x4  }
0x2ce: {  	[tilespmem:v18+s17+$0x0] =	vst.idx.msk $0xffff, v17  }
0x2cf: {  	s25 =	sadd.s32 $0xFFFFFFF4, s23;
	v18 =	vadd.s32 v6, v19;
	v17 =	vld [tilespmem:s22+$0xFFFFFF50]  }
0x2d0: {  	v19 =	vmov s25  }
0x2d1: {  	v19 =	vshrl.u32 v19, $0x3  }
0x2d2: {  	v19 =	vshll.u32 v19, v1  }
0x2d3: {  	v19 =	vbroadcast v19, $0x0  }
0x2d4: {  	[tilespmem:v18+s17+$0x0] =	vst.idx.msk $0xffff, v17  }
0x2d5: {  	v18 =	vadd.s32 v7, v19;
	v17 =	vld [tilespmem:s22+$0xFFFFFF60];
	_ =	sdelay $0x4  }
0x2d6: {  	[tilespmem:v18+s17+$0x0] =	vst.idx.msk $0xffff, v17  }
0x2d7: {  	s26 =	sadd.s32 $0xFFFFFFF5, s23;
	v18 =	vadd.s32 v8, v19;
	v17 =	vld [tilespmem:s22+$0xFFFFFF70]  }
0x2d8: {  	v19 =	vmov s26  }
0x2d9: {  	v19 =	vshrl.u32 v19, $0x3  }
0x2da: {  	v19 =	vshll.u32 v19, v1  }
0x2db: {  	v19 =	vbroadcast v19, $0x0  }
0x2dc: {  	[tilespmem:v18+s17+$0x0] =	vst.idx.msk $0xffff, v17  }
0x2dd: {  	v18 =	vadd.s32 v9, v19;
	v17 =	vld [tilespmem:s22+$0xFFFFFF80];
	_ =	sdelay $0x4  }
0x2de: {  	[tilespmem:v18+s17+$0x0] =	vst.idx.msk $0xffff, v17  }
0x2df: {  	s28 =	sadd.s32 $0xFFFFFFF6, s23;
	v18 =	vadd.s32 v10, v19;
	v17 =	vld [tilespmem:s22+$0xFFFFFF90]  }
0x2e0: {  	v19 =	vmov s28  }
0x2e1: {  	v19 =	vshrl.u32 v19, $0x3  }
0x2e2: {  	v19 =	vshll.u32 v19, v1  }
0x2e3: {  	v19 =	vbroadcast v19, $0x0  }
0x2e4: {  	[tilespmem:v18+s17+$0x0] =	vst.idx.msk $0xffff, v17  }
0x2e5: {  	v18 =	vadd.s32 v11, v19;
	v17 =	vld [tilespmem:s22+$0xFFFFFFA0];
	_ =	sdelay $0x4  }
0x2e6: {  	[tilespmem:v18+s17+$0x0] =	vst.idx.msk $0xffff, v17  }
0x2e7: {  	s29 =	sadd.s32 $0xFFFFFFF7, s23;
	v18 =	vadd.s32 v12, v19;
	v17 =	vld [tilespmem:s22+$0xFFFFFFB0]  }
0x2e8: {  	v19 =	vmov s29  }
0x2e9: {  	v19 =	vshrl.u32 v19, $0x3  }
0x2ea: {  	v19 =	vshll.u32 v19, v1  }
0x2eb: {  	v19 =	vbroadcast v19, $0x0  }
0x2ec: {  	[tilespmem:v18+s17+$0x0] =	vst.idx.msk $0xffff, v17  }
0x2ed: {  	v18 =	vadd.s32 v13, v19;
	v17 =	vld [tilespmem:s22+$0xFFFFFFC0];
	_ =	sdelay $0x4  }
0x2ee: {  	[tilespmem:v18+s17+$0x0] =	vst.idx.msk $0xffff, v17  }
0x2ef: {  	s30 =	sadd.s32 $0xFFFFFFF8, s23;
	v18 =	vadd.s32 v14, v19;
	v17 =	vld [tilespmem:s22+$0xFFFFFFD0]  }
0x2f0: {  	v19 =	vmov s30  }
0x2f1: {  	v19 =	vshrl.u32 v19, $0x3  }
0x2f2: {  	v19 =	vshll.u32 v19, v1  }
0x2f3: {  	v19 =	vbroadcast v19, $0x0  }
0x2f4: {  	[tilespmem:v18+s17+$0x0] =	vst.idx.msk $0xffff, v17  }
0x2f5: {  	v18 =	vadd.s32 v15, v19;
	v17 =	vld [tilespmem:s22+$0xFFFFFFE0];
	_ =	sdelay $0x4  }
0x2f6: {  	[tilespmem:v18+s17+$0x0] =	vst.idx.msk $0xffff, v17  }
0x2f7: {  	s31 =	sadd.s32 $0xFFFFFFF9, s23;
	v18 =	vadd.s32 v16, v19;
	v17 =	vld [tilespmem:s22+$0xFFFFFFF0]  }
0x2f8: {  	v19 =	vmov s31  }
0x2f9: {  	v19 =	vshrl.u32 v19, $0x3  }
0x2fa: {  	v19 =	vshll.u32 v19, v1  }
0x2fb: {  	v19 =	vbroadcast v19, $0x0  }
0x2fc: {  	[tilespmem:v18+s17+$0x0] =	vst.idx.msk $0xffff, v17  }
0x2fd: {  	v18 =	vadd.s32 v0, v19;
	v17 =	vld [tilespmem:s22+$0x0];
	_ =	sdelay $0x4  }
0x2fe: {  	[tilespmem:v18+s17+$0x0] =	vst.idx.msk $0xffff, v17  }
0x2ff: {  	s25 =	sadd.s32 $0xFFFFFFFA, s23;
	v18 =	vadd.s32 v2, v19;
	v17 =	vld [tilespmem:s22+$0x10]  }
0x300: {  	v19 =	vmov s25  }
0x301: {  	v19 =	vshrl.u32 v19, $0x3  }
0x302: {  	v19 =	vshll.u32 v19, v1  }
0x303: {  	v19 =	vbroadcast v19, $0x0  }
0x304: {  	[tilespmem:v18+s17+$0x0] =	vst.idx.msk $0xffff, v17  }
0x305: {  	v18 =	vadd.s32 v3, v19;
	v17 =	vld [tilespmem:s22+$0x20];
	_ =	sdelay $0x4  }
0x306: {  	[tilespmem:v18+s17+$0x0] =	vst.idx.msk $0xffff, v17  }
0x307: {  	s26 =	sadd.s32 $0xFFFFFFFB, s23;
	v18 =	vadd.s32 v4, v19;
	v17 =	vld [tilespmem:s22+$0x30]  }
0x308: {  	v19 =	vmov s26  }
0x309: {  	v19 =	vshrl.u32 v19, $0x3  }
0x30a: {  	v19 =	vshll.u32 v19, v1  }
0x30b: {  	v19 =	vbroadcast v19, $0x0  }
0x30c: {  	[tilespmem:v18+s17+$0x0] =	vst.idx.msk $0xffff, v17  }
0x30d: {  	v18 =	vadd.s32 v5, v19;
	v17 =	vld [tilespmem:s22+$0x40];
	_ =	sdelay $0x4  }
0x30e: {  	[tilespmem:v18+s17+$0x0] =	vst.idx.msk $0xffff, v17  }
0x30f: {  	s28 =	sadd.s32 $0xFFFFFFFC, s23;
	v18 =	vadd.s32 v6, v19;
	v17 =	vld [tilespmem:s22+$0x50]  }
0x310: {  	v19 =	vmov s28  }
0x311: {  	v19 =	vshrl.u32 v19, $0x3  }
0x312: {  	v19 =	vshll.u32 v19, v1  }
0x313: {  	v19 =	vbroadcast v19, $0x0  }
0x314: {  	[tilespmem:v18+s17+$0x0] =	vst.idx.msk $0xffff, v17  }
0x315: {  	v18 =	vadd.s32 v7, v19;
	v17 =	vld [tilespmem:s22+$0x60];
	_ =	sdelay $0x4  }
0x316: {  	[tilespmem:v18+s17+$0x0] =	vst.idx.msk $0xffff, v17  }
0x317: {  	s29 =	sadd.s32 $0xFFFFFFFD, s23;
	v18 =	vadd.s32 v8, v19;
	v17 =	vld [tilespmem:s22+$0x70]  }
0x318: {  	v19 =	vmov s29  }
0x319: {  	v19 =	vshrl.u32 v19, $0x3  }
0x31a: {  	v19 =	vshll.u32 v19, v1  }
0x31b: {  	v19 =	vbroadcast v19, $0x0  }
0x31c: {  	[tilespmem:v18+s17+$0x0] =	vst.idx.msk $0xffff, v17  }
0x31d: {  	v18 =	vadd.s32 v9, v19;
	v17 =	vld [tilespmem:s22+$0x80];
	_ =	sdelay $0x4  }
0x31e: {  	[tilespmem:v18+s17+$0x0] =	vst.idx.msk $0xffff, v17  }
0x31f: {  	s30 =	sadd.s32 $0xFFFFFFFE, s23;
	v18 =	vadd.s32 v10, v19;
	v17 =	vld [tilespmem:s22+$0x90]  }
0x320: {  	v19 =	vmov s30  }
0x321: {  	v19 =	vshrl.u32 v19, $0x3  }
0x322: {  	v19 =	vshll.u32 v19, v1  }
0x323: {  	v19 =	vbroadcast v19, $0x0  }
0x324: {  	[tilespmem:v18+s17+$0x0] =	vst.idx.msk $0xffff, v17  }
0x325: {  	v18 =	vadd.s32 v11, v19;
	v17 =	vld [tilespmem:s22+$0xA0];
	_ =	sdelay $0x4  }
0x326: {  	[tilespmem:v18+s17+$0x0] =	vst.idx.msk $0xffff, v17  }
0x327: {  	s31 =	sadd.s32 $0xFFFFFFFF, s23;
	v18 =	vadd.s32 v12, v19;
	v17 =	vld [tilespmem:s22+$0xB0]  }
0x328: {  	v19 =	vmov s31  }
0x329: {  	v19 =	vshrl.u32 v19, $0x3  }
0x32a: {  	v19 =	vshll.u32 v19, v1  }
0x32b: {  	v19 =	vbroadcast v19, $0x0  }
0x32c: {  	[tilespmem:v18+s17+$0x0] =	vst.idx.msk $0xffff, v17  }
0x32d: {  	v18 =	vadd.s32 v13, v19;
	v17 =	vld [tilespmem:s22+$0xC0];
	_ =	sdelay $0x4  }
0x32e: {  	[tilespmem:v18+s17+$0x0] =	vst.idx.msk $0xffff, v17  }
0x32f: {  	v18 =	vadd.s32 v14, v19;
	v17 =	vld [tilespmem:s22+$0xD0]  }
0x330: {  	v19 =	vmov s23  }
0x331: {  	v19 =	vshrl.u32 v19, $0x3  }
0x332: {  	v19 =	vshll.u32 v19, v1  }
0x333: {  	v19 =	vbroadcast v19, $0x0  }
0x334: {  	[tilespmem:v18+s17+$0x0] =	vst.idx.msk $0xffff, v17  }
0x335: {  	v18 =	vadd.s32 v15, v19;
	v17 =	vld [tilespmem:s22+$0xE0];
	_ =	sdelay $0x4  }
0x336: {  	[tilespmem:v18+s17+$0x0] =	vst.idx.msk $0xffff, v17  }
0x337: {  	v18 =	vadd.s32 v16, v19;
	v17 =	vld [tilespmem:s22+$0xF0]  }
0x338: {  	s21 =	sshll.u32 s21, $0x13  }
0x339: {  	s21 =	sor.u32 s4, s21  }
0x33a: {  	s21 =	sshrl.u32 s21, $0x3  }
0x33b: {  	s21 =	sadd.s32 s5, s21;
	s24 =	simm.s32 $0x18B08  }
0x33c: {  	s25 =	sadd.s32 $0x0, s21;
	s23 =	simm.s32 $0x800;
	s22 =	simm.s32 $0x18900;
	[tilespmem:v18+s17+$0x0] =	vst.idx.msk $0xffff, v17  }
.LBB2_13:
0x33d: {  	[hbm4b:s25+s3] =	stream.linear.scatter [tilespmem:s22], [sflag:$0x4], $0x200, $0x38;
	[tilespmem:$0x1CA00] =	vst v63  }
0x33e: {  	s25 =	smov.u32 s23;
	s22 =	smov.u32 s24;
	p0 =	sne.s32 s23, $0xF800  }
.Ltmp6:
0x33f: {  	s23 =	sadd.s32 $0x800, s23;
	(pc) =	sbr.rel @p0 .LBB2_13-.Ltmp6, $2  }
0x340: {  	_ =	sdelay $0x2  }
0x341: {  	s24 =	sadd.s32 $0x208, s24;
	s25 =	sadd.s32 s25, s21  }
0x342: {  	s20 =	sadd.s32 $0x1, s20  }
0x343: {  	p0 =	sne.s32 s20, $0x32  }
.Ltmp7:
0x344: {  	_ = 	snop;
	(pc) =	sbr.rel @p0 .LBB2_2-.Ltmp7, $2  }
0x345: {  	_ =	sdelay $0x2  }
0x346: {  	[hbm4b:s25+s3] =	stream.linear.scatter [tilespmem:s22], [sflag:$0x4], $0x200, $0x38;
	[tilespmem:$0x1CA00] =	vst v63  }
0x347: {  	s19 =	sadd.s32 $0x1, s19  }
0x348: {  	_ =	swait.ge [sflag:s18], $0x4000;
	p0 =	sne.s32 s19, s7  }
.Ltmp8:
0x349: {  	[sflag:s18] =	ssyncset.done $0x0;
	(pc) =	sbr.rel @p0 .LBB2_1-.Ltmp8, $4  }
0x34a: {  	[sflag:s18] =	ssyncadd.s32 $0xFFFFC000  }
0x34b: {  	_ =	swait.ge [sflag:s16], $0x4000  }
0x34c: {  	[sflag:s16] =	ssyncset.done $0x0  }
0x34d: {  	[sflag:s16] =	ssyncadd.s32 $0xFFFFC000  }
0x34e: {  	_ =	sfence.sel $0x180000  }
0x34f: {  	[bflag:$0x0] =	sbarrier.arrive $0xFFFF  }
0x350: {  	p0 =	sne.s32 s1, $0x0;
	_ =	strace $0x90000047  }
0x351: {  	s0 =	sadd.s32 @!p0 $0x100000, s0;
	[bflag:$0x2] =	sbarrier.arrive $0xFFFF  }
0x352: {  	[sflag:s0] =	ssyncadd.tile.s32 @!p0 $0x1;
	_ =	shalt  }
.Lfunc_end2:
_tile_overlayer_lowered:
.L_overlay_start_2:
0x353: {  	(tag) =	ssettag $0x2  }
0x354: {  	s0 =	rddreg [dreg:$0x0];
	s2 =	stileid.u32  }
0x355: {  	s1 =	rddreg [dreg:$0x1];
	p0 =	sne.s32 s2, $0x0  }
0x356: {  	s3 =	rddreg [dreg:$0x2];
	[bflag:$0x3] =	sbarrier.arrive $0xFFFF;
	s2 =	simm.s32 @!p0 $0x1C05  }
0x357: {  	[timem:s3], [sflag:s2] =	dma.local @!p0 [hbm:s0], s1  }
0x358: {  	s0 =	simm.s32 @!p0 $0x5  }
0x359: {  	_ =	swait.ge @!p0 [sflag:s0], s1  }
0x35a: {  	s1 =	ssub.s32 @!p0 $0x0, s1;
	[sflag:s0] =	ssyncset.done @!p0 $0x0  }
0x35b: {  	[sflag:s0] =	ssyncadd.s32 @!p0 s1  }
0x35c: {  	[bflag:$0x3] =	sbarrier.arrive $0xFFFF  }
0x35d: {  	_ =	shalt  }

</sc_bundles>
